<compile_context>
chip_gen: v7x
topology: tpu7x:2x2x1
jax: 0.10.2.dev20260603
libtpu: 0.0.44.dev20260713+nightly
codegen_flags: <defaults>
</compile_context>

<pallas_src>
import functools

import jax
import jax.numpy as jnp
from jax import lax
from jax.experimental import pallas as pl
from jax.experimental.pallas import tpu as pltpu
from jax.experimental.pallas import tpu_sc as plsc

V = 1000001
D = 64
B = 4096
L = 200
N = B * L
NC = 2
NS = 16
NW = NC * NS
PER_W = N // NW
CH = 128
NCHUNK = PER_W // CH


def _sc_gather(table, ids):
    mesh = plsc.VectorSubcoreMesh(core_axis_name="c", subcore_axis_name="s")

    @functools.partial(
        pl.kernel,
        out_type=jax.ShapeDtypeStruct((N, D), jnp.float32),
        mesh=mesh,
        scratch_types=[
            pltpu.VMEM((PER_W,), jnp.int32),
            [pltpu.VMEM((CH, D), jnp.float32)] * 8,
            [pltpu.SemaphoreType.DMA] * 8,
            [pltpu.SemaphoreType.DMA] * 8,
        ],
        compiler_params=pltpu.CompilerParams(use_tc_tiling_on_sc=False),
    )
    def k(t_hbm, idx_hbm, out_hbm, idx_v, bufs, sgs, sws):
        wid = lax.axis_index("s") * NC + lax.axis_index("c")
        base = wid * PER_W
        pltpu.sync_copy(idx_hbm.at[pl.ds(base, PER_W)], idx_v)

        def body(j, carry):
            gathers = []
            for q in range(8):
                jq = 8 * j + q
                gathers.append(pltpu.async_copy(
                    t_hbm.at[idx_v.at[pl.ds(jq * CH, CH)]], bufs[q], sgs[q]))
            writes = []
            for q in range(8):
                jq = 8 * j + q
                gathers[q].wait()
                writes.append(pltpu.async_copy(
                    bufs[q], out_hbm.at[pl.ds(base + jq * CH, CH)], sws[q]))
            for q in range(8):
                writes[q].wait()
            return carry

        lax.fori_loop(0, NCHUNK // 8, body, 0)

    return k(table, ids)


BLK2 = 8192
CE = BLK2 * 2 * D
G2 = (N * D) // CE


def _mm_body(x_ref, w1_ref, b1_ref, w2_ref, b2_ref, o_ref):
    z = jnp.zeros((D, D), jnp.float32)
    w1d = jnp.concatenate(
        [jnp.concatenate([w1_ref[...], z], axis=1),
         jnp.concatenate([z, w1_ref[...]], axis=1)], axis=0)
    w2d = jnp.concatenate(
        [jnp.concatenate([w2_ref[...], z], axis=1),
         jnp.concatenate([z, w2_ref[...]], axis=1)], axis=0)
    b1d = jnp.concatenate([b1_ref[...], b1_ref[...]], axis=1)
    b2d = jnp.concatenate([b2_ref[...], b2_ref[...]], axis=1)
    x = x_ref[...].reshape(BLK2, 2 * D)
    h = jnp.dot(x, w1d, preferred_element_type=jnp.float32) + b1d
    y = jnp.dot(h, w2d, preferred_element_type=jnp.float32) + b2d
    o_ref[...] = y.reshape(CE)


def _final_mm(xf, W1, b1, W2, b2):
    return pl.pallas_call(
        _mm_body,
        grid=(G2,),
        in_specs=[
            pl.BlockSpec((CE,), lambda i: (i,)),
            pl.BlockSpec((D, D), lambda i: (0, 0)),
            pl.BlockSpec((1, D), lambda i: (0, 0)),
            pl.BlockSpec((D, D), lambda i: (0, 0)),
            pl.BlockSpec((1, D), lambda i: (0, 0)),
        ],
        out_specs=pl.BlockSpec((CE,), lambda i: (i,)),
        out_shape=jax.ShapeDtypeStruct((N * D,), jnp.float32),
    )(xf, W1, b1.reshape(1, D), W2, b2.reshape(1, D))


def kernel(input_ids, emb_table, W1, b1, W2, b2):
    ids = input_ids.reshape(N)
    g = _sc_gather(emb_table, ids)
    yf = _final_mm(g.reshape(N * D), W1, b1, W2, b2)
    return (yf.reshape(B, L, D),)

# --- scband reference (transcript-rebuilt; emitter-appended) ---
"""Pipeline reference for scband-toy-lmbranchy-2121713845207 (READ-ONLY COPY).

The authoritative reference and input builder live on the scoring server;
editing this copy changes nothing except your own understanding.
"""

import jax, jax.numpy as jnp
import numpy as np

VOCAB = 1000000
D = 64
B = 4096
L = 200


def setup_inputs(seed: int = 0) -> dict:
    key = jax.random.key(seed)
    k1, k2, k3, k4, k5, k6 = jax.random.split(key, 6)
    input_ids = jax.random.randint(k1, (B, L), 0, VOCAB + 1, dtype=jnp.int32)
    # Embedding table: (vocab_size + 1, d_model), padding_idx=0 row zeroed (torch init behavior)
    emb_table = jax.random.normal(k2, (VOCAB + 1, D), dtype=jnp.float32)
    emb_table = emb_table.at[0].set(0.0)
    # nn.Linear(d_model, d_model) params (stored transposed for x @ W convention)
    lim = 1.0 / np.sqrt(D)
    W1 = jax.random.uniform(k3, (D, D), dtype=jnp.float32, minval=-lim, maxval=lim)
    b1 = jax.random.uniform(k4, (D,), dtype=jnp.float32, minval=-lim, maxval=lim)
    W2 = jax.random.uniform(k5, (D, D), dtype=jnp.float32, minval=-lim, maxval=lim)
    b2 = jax.random.uniform(k6, (D,), dtype=jnp.float32, minval=-lim, maxval=lim)
    return {"input_ids": input_ids, "emb_table": emb_table, "W1": W1, "b1": b1, "W2": W2, "b2": b2}


def reference(input_ids, emb_table, W1, b1, W2, b2):
    # x = self.embed(input_ids)
    x = jnp.take(emb_table, input_ids, axis=0)
    # x = self.lin(x)
    x = x @ W1 + b1
    # self.out = ReturnTuple(nn.Linear(d_model, d_model)) -> returns (y,)
    y = x @ W2 + b2
    return (y,)

if __name__ == "__main__":
    import jax
    _d = setup_inputs()
    print(jax.jit(kernel)(*tuple(_d.values())))

</pallas_src>

<mosaic_0001>
#map = affine_map<(d0, d1) -> (0, 0)>
#map1 = affine_map<(d0, d1) -> (0)>
module attributes {stable_mosaic.version = 14 : i64} {
  func.func @k(%arg0: i32, %arg1: i32, %arg2: memref<1000001x64xf32, #tpu.memory_space<hbm>>, %arg3: memref<819200xi32, #tpu.memory_space<hbm>>, %arg4: memref<819200x64xf32, #tpu.memory_space<hbm>>, %arg5: memref<25600xi32, #tpu.memory_space<vmem>>, %arg6: memref<128x64xf32, #tpu.memory_space<vmem>>, %arg7: memref<128x64xf32, #tpu.memory_space<vmem>>, %arg8: memref<128x64xf32, #tpu.memory_space<vmem>>, %arg9: memref<128x64xf32, #tpu.memory_space<vmem>>, %arg10: memref<128x64xf32, #tpu.memory_space<vmem>>, %arg11: memref<128x64xf32, #tpu.memory_space<vmem>>, %arg12: memref<128x64xf32, #tpu.memory_space<vmem>>, %arg13: memref<128x64xf32, #tpu.memory_space<vmem>>, %arg14: memref<!tpu.dma_semaphore, #tpu.memory_space<semaphore_mem>>, %arg15: memref<!tpu.dma_semaphore, #tpu.memory_space<semaphore_mem>>, %arg16: memref<!tpu.dma_semaphore, #tpu.memory_space<semaphore_mem>>, %arg17: memref<!tpu.dma_semaphore, #tpu.memory_space<semaphore_mem>>, %arg18: memref<!tpu.dma_semaphore, #tpu.memory_space<semaphore_mem>>, %arg19: memref<!tpu.dma_semaphore, #tpu.memory_space<semaphore_mem>>, %arg20: memref<!tpu.dma_semaphore, #tpu.memory_space<semaphore_mem>>, %arg21: memref<!tpu.dma_semaphore, #tpu.memory_space<semaphore_mem>>, %arg22: memref<!tpu.dma_semaphore, #tpu.memory_space<semaphore_mem>>, %arg23: memref<!tpu.dma_semaphore, #tpu.memory_space<semaphore_mem>>, %arg24: memref<!tpu.dma_semaphore, #tpu.memory_space<semaphore_mem>>, %arg25: memref<!tpu.dma_semaphore, #tpu.memory_space<semaphore_mem>>, %arg26: memref<!tpu.dma_semaphore, #tpu.memory_space<semaphore_mem>>, %arg27: memref<!tpu.dma_semaphore, #tpu.memory_space<semaphore_mem>>, %arg28: memref<!tpu.dma_semaphore, #tpu.memory_space<semaphore_mem>>, %arg29: memref<!tpu.dma_semaphore, #tpu.memory_space<semaphore_mem>>) attributes {dimension_semantics = [#tpu.dimension_semantics<core_parallel>, #tpu.dimension_semantics<subcore_parallel>], iteration_bounds = array<i64: 2, 16>, scalar_prefetch = 0 : i64, scratch_operands = 25 : i64, tpu.core_type = #tpu.core_type<sc_vector_subcore>, window_params = [{transform_indices = #map}, {transform_indices = #map1}, {transform_indices = #map}]} {
    %mul3A = arith.constant 2 : i32
    %mul3A_0 = arith.muli %arg1, %mul3A : i32
    %add3A = arith.addi %mul3A_0, %arg0 : i32
    %mul3A_1 = arith.constant 25600 : i32
    %mul3A_2 = arith.muli %add3A, %mul3A_1 : i32
    "tpu.region"() ({
      %run_scoped3A = tpu.sem_alloc : memref<!tpu.dma_semaphore, #tpu.memory_space<semaphore_mem>>
      %dma_start3A = tpu.memref_slice %arg3[%mul3A_2] : memref<819200xi32, #tpu.memory_space<hbm>> -> memref<25600xi32, #tpu.memory_space<hbm>>
      %dma_start3A_8 = tpu.memref_slice %arg3[%mul3A_2] : memref<819200xi32, #tpu.memory_space<hbm>> -> memref<25600xi32, #tpu.memory_space<hbm>>
      tpu.enqueue_dma source(%dma_start3A_8 : memref<25600xi32, #tpu.memory_space<hbm>>) target(%arg5 : memref<25600xi32, #tpu.memory_space<vmem>>) target_semaphore(%run_scoped3A : memref<!tpu.dma_semaphore, #tpu.memory_space<semaphore_mem>>)
      %dma_wait3A = tpu.memref_slice %arg3[%mul3A_2] : memref<819200xi32, #tpu.memory_space<hbm>> -> memref<25600xi32, #tpu.memory_space<hbm>>
      %dma_wait3A_9 = tpu.memref_slice %arg3[%mul3A_2] : memref<819200xi32, #tpu.memory_space<hbm>> -> memref<25600xi32, #tpu.memory_space<hbm>>
      tpu.wait_dma2 semaphore(%run_scoped3A : memref<!tpu.dma_semaphore, #tpu.memory_space<semaphore_mem>>) src(%dma_wait3A_9 : memref<25600xi32, #tpu.memory_space<hbm>>) dst(%arg5 : memref<25600xi32, #tpu.memory_space<vmem>>)
      tpu.yield
    }) : () -> ()
    %scan3A = arith.constant 0 : i32
    %scan3A_3 = arith.constant 0 : i32
    %scan3A_4 = arith.constant 25 : i32
    %scan3A_5 = arith.addi %scan3A_3, %scan3A_4 : i32
    %scan3A_6 = arith.constant 1 : i32
    scf.for %scan3A_8 = %scan3A_3 to %scan3A_5 step %scan3A_6  : i32 {
      %mul3A_9 = arith.constant 8 : i32
      %mul3A_10 = arith.muli %mul3A_9, %scan3A_8 : i32
      %add3A_11 = arith.constant 0 : i32
      %add3A_12 = arith.addi %mul3A_10, %add3A_11 : i32
      %mul3A_13 = arith.constant 128 : i32
      %mul3A_14 = arith.muli %add3A_12, %mul3A_13 : i32
      %dma_start3A = tpu.memref_slice %arg5[%mul3A_14] : memref<25600xi32, #tpu.memory_space<vmem>> -> memref<128xi32, #tpu.memory_space<vmem>>
      %dma_start3A_15 = arith.constant 0 : i32
      %dma_start3A_16 = arith.constant 0 : i32
      %dma_start3A_17 = tpu.memref_slice %arg2[%dma_start3A_15, %dma_start3A_16] : memref<1000001x64xf32, #tpu.memory_space<hbm>> -> memref<1000001x64xf32, #tpu.memory_space<hbm>>
      tpu.enqueue_indirect_dma source(%dma_start3A_17 : memref<1000001x64xf32, #tpu.memory_space<hbm>>) target(%arg6 : memref<128x64xf32, #tpu.memory_space<vmem>>) offsets(%dma_start3A : memref<128xi32, #tpu.memory_space<vmem>>) semaphore(%arg14 : memref<!tpu.dma_semaphore, #tpu.memory_space<semaphore_mem>>)
      %mul3A_18 = arith.constant 8 : i32
      %mul3A_19 = arith.muli %mul3A_18, %scan3A_8 : i32
      %add3A_20 = arith.constant 1 : i32
      %add3A_21 = arith.addi %mul3A_19, %add3A_20 : i32
      %mul3A_22 = arith.constant 128 : i32
      %mul3A_23 = arith.muli %add3A_21, %mul3A_22 : i32
      %dma_start3A_24 = tpu.memref_slice %arg5[%mul3A_23] : memref<25600xi32, #tpu.memory_space<vmem>> -> memref<128xi32, #tpu.memory_space<vmem>>
      %dma_start3A_25 = arith.constant 0 : i32
      %dma_start3A_26 = arith.constant 0 : i32
      %dma_start3A_27 = tpu.memref_slice %arg2[%dma_start3A_25, %dma_start3A_26] : memref<1000001x64xf32, #tpu.memory_space<hbm>> -> memref<1000001x64xf32, #tpu.memory_space<hbm>>
      tpu.enqueue_indirect_dma source(%dma_start3A_27 : memref<1000001x64xf32, #tpu.memory_space<hbm>>) target(%arg7 : memref<128x64xf32, #tpu.memory_space<vmem>>) offsets(%dma_start3A_24 : memref<128xi32, #tpu.memory_space<vmem>>) semaphore(%arg15 : memref<!tpu.dma_semaphore, #tpu.memory_space<semaphore_mem>>)
      %mul3A_28 = arith.constant 8 : i32
      %mul3A_29 = arith.muli %mul3A_28, %scan3A_8 : i32
      %add3A_30 = arith.constant 2 : i32
      %add3A_31 = arith.addi %mul3A_29, %add3A_30 : i32
      %mul3A_32 = arith.constant 128 : i32
      %mul3A_33 = arith.muli %add3A_31, %mul3A_32 : i32
      %dma_start3A_34 = tpu.memref_slice %arg5[%mul3A_33] : memref<25600xi32, #tpu.memory_space<vmem>> -> memref<128xi32, #tpu.memory_space<vmem>>
      %dma_start3A_35 = arith.constant 0 : i32
      %dma_start3A_36 = arith.constant 0 : i32
      %dma_start3A_37 = tpu.memref_slice %arg2[%dma_start3A_35, %dma_start3A_36] : memref<1000001x64xf32, #tpu.memory_space<hbm>> -> memref<1000001x64xf32, #tpu.memory_space<hbm>>
      tpu.enqueue_indirect_dma source(%dma_start3A_37 : memref<1000001x64xf32, #tpu.memory_space<hbm>>) target(%arg8 : memref<128x64xf32, #tpu.memory_space<vmem>>) offsets(%dma_start3A_34 : memref<128xi32, #tpu.memory_space<vmem>>) semaphore(%arg16 : memref<!tpu.dma_semaphore, #tpu.memory_space<semaphore_mem>>)
      %mul3A_38 = arith.constant 8 : i32
      %mul3A_39 = arith.muli %mul3A_38, %scan3A_8 : i32
      %add3A_40 = arith.constant 3 : i32
      %add3A_41 = arith.addi %mul3A_39, %add3A_40 : i32
      %mul3A_42 = arith.constant 128 : i32
      %mul3A_43 = arith.muli %add3A_41, %mul3A_42 : i32
      %dma_start3A_44 = tpu.memref_slice %arg5[%mul3A_43] : memref<25600xi32, #tpu.memory_space<vmem>> -> memref<128xi32, #tpu.memory_space<vmem>>
      %dma_start3A_45 = arith.constant 0 : i32
      %dma_start3A_46 = arith.constant 0 : i32
      %dma_start3A_47 = tpu.memref_slice %arg2[%dma_start3A_45, %dma_start3A_46] : memref<1000001x64xf32, #tpu.memory_space<hbm>> -> memref<1000001x64xf32, #tpu.memory_space<hbm>>
      tpu.enqueue_indirect_dma source(%dma_start3A_47 : memref<1000001x64xf32, #tpu.memory_space<hbm>>) target(%arg9 : memref<128x64xf32, #tpu.memory_space<vmem>>) offsets(%dma_start3A_44 : memref<128xi32, #tpu.memory_space<vmem>>) semaphore(%arg17 : memref<!tpu.dma_semaphore, #tpu.memory_space<semaphore_mem>>)
      %mul3A_48 = arith.constant 8 : i32
      %mul3A_49 = arith.muli %mul3A_48, %scan3A_8 : i32
      %add3A_50 = arith.constant 4 : i32
      %add3A_51 = arith.addi %mul3A_49, %add3A_50 : i32
      %mul3A_52 = arith.constant 128 : i32
      %mul3A_53 = arith.muli %add3A_51, %mul3A_52 : i32
      %dma_start3A_54 = tpu.memref_slice %arg5[%mul3A_53] : memref<25600xi32, #tpu.memory_space<vmem>> -> memref<128xi32, #tpu.memory_space<vmem>>
      %dma_start3A_55 = arith.constant 0 : i32
      %dma_start3A_56 = arith.constant 0 : i32
      %dma_start3A_57 = tpu.memref_slice %arg2[%dma_start3A_55, %dma_start3A_56] : memref<1000001x64xf32, #tpu.memory_space<hbm>> -> memref<1000001x64xf32, #tpu.memory_space<hbm>>
      tpu.enqueue_indirect_dma source(%dma_start3A_57 : memref<1000001x64xf32, #tpu.memory_space<hbm>>) target(%arg10 : memref<128x64xf32, #tpu.memory_space<vmem>>) offsets(%dma_start3A_54 : memref<128xi32, #tpu.memory_space<vmem>>) semaphore(%arg18 : memref<!tpu.dma_semaphore, #tpu.memory_space<semaphore_mem>>)
      %mul3A_58 = arith.constant 8 : i32
      %mul3A_59 = arith.muli %mul3A_58, %scan3A_8 : i32
      %add3A_60 = arith.constant 5 : i32
      %add3A_61 = arith.addi %mul3A_59, %add3A_60 : i32
      %mul3A_62 = arith.constant 128 : i32
      %mul3A_63 = arith.muli %add3A_61, %mul3A_62 : i32
      %dma_start3A_64 = tpu.memref_slice %arg5[%mul3A_63] : memref<25600xi32, #tpu.memory_space<vmem>> -> memref<128xi32, #tpu.memory_space<vmem>>
      %dma_start3A_65 = arith.constant 0 : i32
      %dma_start3A_66 = arith.constant 0 : i32
      %dma_start3A_67 = tpu.memref_slice %arg2[%dma_start3A_65, %dma_start3A_66] : memref<1000001x64xf32, #tpu.memory_space<hbm>> -> memref<1000001x64xf32, #tpu.memory_space<hbm>>
      tpu.enqueue_indirect_dma source(%dma_start3A_67 : memref<1000001x64xf32, #tpu.memory_space<hbm>>) target(%arg11 : memref<128x64xf32, #tpu.memory_space<vmem>>) offsets(%dma_start3A_64 : memref<128xi32, #tpu.memory_space<vmem>>) semaphore(%arg19 : memref<!tpu.dma_semaphore, #tpu.memory_space<semaphore_mem>>)
      %mul3A_68 = arith.constant 8 : i32
      %mul3A_69 = arith.muli %mul3A_68, %scan3A_8 : i32
      %add3A_70 = arith.constant 6 : i32
      %add3A_71 = arith.addi %mul3A_69, %add3A_70 : i32
      %mul3A_72 = arith.constant 128 : i32
      %mul3A_73 = arith.muli %add3A_71, %mul3A_72 : i32
      %dma_start3A_74 = tpu.memref_slice %arg5[%mul3A_73] : memref<25600xi32, #tpu.memory_space<vmem>> -> memref<128xi32, #tpu.memory_space<vmem>>
      %dma_start3A_75 = arith.constant 0 : i32
      %dma_start3A_76 = arith.constant 0 : i32
      %dma_start3A_77 = tpu.memref_slice %arg2[%dma_start3A_75, %dma_start3A_76] : memref<1000001x64xf32, #tpu.memory_space<hbm>> -> memref<1000001x64xf32, #tpu.memory_space<hbm>>
      tpu.enqueue_indirect_dma source(%dma_start3A_77 : memref<1000001x64xf32, #tpu.memory_space<hbm>>) target(%arg12 : memref<128x64xf32, #tpu.memory_space<vmem>>) offsets(%dma_start3A_74 : memref<128xi32, #tpu.memory_space<vmem>>) semaphore(%arg20 : memref<!tpu.dma_semaphore, #tpu.memory_space<semaphore_mem>>)
      %mul3A_78 = arith.constant 8 : i32
      %mul3A_79 = arith.muli %mul3A_78, %scan3A_8 : i32
      %add3A_80 = arith.constant 7 : i32
      %add3A_81 = arith.addi %mul3A_79, %add3A_80 : i32
      %mul3A_82 = arith.constant 128 : i32
      %mul3A_83 = arith.muli %add3A_81, %mul3A_82 : i32
      %dma_start3A_84 = tpu.memref_slice %arg5[%mul3A_83] : memref<25600xi32, #tpu.memory_space<vmem>> -> memref<128xi32, #tpu.memory_space<vmem>>
      %dma_start3A_85 = arith.constant 0 : i32
      %dma_start3A_86 = arith.constant 0 : i32
      %dma_start3A_87 = tpu.memref_slice %arg2[%dma_start3A_85, %dma_start3A_86] : memref<1000001x64xf32, #tpu.memory_space<hbm>> -> memref<1000001x64xf32, #tpu.memory_space<hbm>>
      tpu.enqueue_indirect_dma source(%dma_start3A_87 : memref<1000001x64xf32, #tpu.memory_space<hbm>>) target(%arg13 : memref<128x64xf32, #tpu.memory_space<vmem>>) offsets(%dma_start3A_84 : memref<128xi32, #tpu.memory_space<vmem>>) semaphore(%arg21 : memref<!tpu.dma_semaphore, #tpu.memory_space<semaphore_mem>>)
      %mul3A_88 = arith.constant 8 : i32
      %mul3A_89 = arith.muli %mul3A_88, %scan3A_8 : i32
      %add3A_90 = arith.constant 0 : i32
      %add3A_91 = arith.addi %mul3A_89, %add3A_90 : i32
      %dma_wait3A = tpu.memref_slice %arg5[%mul3A_14] : memref<25600xi32, #tpu.memory_space<vmem>> -> memref<128xi32, #tpu.memory_space<vmem>>
      %dma_wait3A_92 = arith.constant 0 : i32
      %dma_wait3A_93 = arith.constant 0 : i32
      %dma_wait3A_94 = tpu.memref_slice %arg2[%dma_wait3A_92, %dma_wait3A_93] : memref<1000001x64xf32, #tpu.memory_space<hbm>> -> memref<1000001x64xf32, #tpu.memory_space<hbm>>
      tpu.wait_indirect_dma semaphore(%arg14 : memref<!tpu.dma_semaphore, #tpu.memory_space<semaphore_mem>>) src(%dma_wait3A_94 : memref<1000001x64xf32, #tpu.memory_space<hbm>>) dst(%arg6 : memref<128x64xf32, #tpu.memory_space<vmem>>)
      %mul3A_95 = arith.constant 128 : i32
      %mul3A_96 = arith.muli %add3A_91, %mul3A_95 : i32
      %add3A_97 = arith.addi %mul3A_2, %mul3A_96 : i32
      %dma_start3A_98 = arith.constant 0 : i32
      %dma_start3A_99 = tpu.memref_slice %arg4[%add3A_97, %dma_start3A_98] : memref<819200x64xf32, #tpu.memory_space<hbm>> -> memref<128x64xf32, #tpu.memory_space<hbm>>
      %dma_start3A_100 = arith.constant 0 : i32
      %dma_start3A_101 = tpu.memref_slice %arg4[%add3A_97, %dma_start3A_100] : memref<819200x64xf32, #tpu.memory_space<hbm>> -> memref<128x64xf32, #tpu.memory_space<hbm>>
      tpu.enqueue_dma source(%arg6 : memref<128x64xf32, #tpu.memory_space<vmem>>) target(%dma_start3A_101 : memref<128x64xf32, #tpu.memory_space<hbm>>) target_semaphore(%arg22 : memref<!tpu.dma_semaphore, #tpu.memory_space<semaphore_mem>>)
      %mul3A_102 = arith.constant 8 : i32
      %mul3A_103 = arith.muli %mul3A_102, %scan3A_8 : i32
      %add3A_104 = arith.constant 1 : i32
      %add3A_105 = arith.addi %mul3A_103, %add3A_104 : i32
      %dma_wait3A_106 = tpu.memref_slice %arg5[%mul3A_23] : memref<25600xi32, #tpu.memory_space<vmem>> -> memref<128xi32, #tpu.memory_space<vmem>>
      %dma_wait3A_107 = arith.constant 0 : i32
      %dma_wait3A_108 = arith.constant 0 : i32
      %dma_wait3A_109 = tpu.memref_slice %arg2[%dma_wait3A_107, %dma_wait3A_108] : memref<1000001x64xf32, #tpu.memory_space<hbm>> -> memref<1000001x64xf32, #tpu.memory_space<hbm>>
      tpu.wait_indirect_dma semaphore(%arg15 : memref<!tpu.dma_semaphore, #tpu.memory_space<semaphore_mem>>) src(%dma_wait3A_109 : memref<1000001x64xf32, #tpu.memory_space<hbm>>) dst(%arg7 : memref<128x64xf32, #tpu.memory_space<vmem>>)
      %mul3A_110 = arith.constant 128 : i32
      %mul3A_111 = arith.muli %add3A_105, %mul3A_110 : i32
      %add3A_112 = arith.addi %mul3A_2, %mul3A_111 : i32
      %dma_start3A_113 = arith.constant 0 : i32
      %dma_start3A_114 = tpu.memref_slice %arg4[%add3A_112, %dma_start3A_113] : memref<819200x64xf32, #tpu.memory_space<hbm>> -> memref<128x64xf32, #tpu.memory_space<hbm>>
      %dma_start3A_115 = arith.constant 0 : i32
      %dma_start3A_116 = tpu.memref_slice %arg4[%add3A_112, %dma_start3A_115] : memref<819200x64xf32, #tpu.memory_space<hbm>> -> memref<128x64xf32, #tpu.memory_space<hbm>>
      tpu.enqueue_dma source(%arg7 : memref<128x64xf32, #tpu.memory_space<vmem>>) target(%dma_start3A_116 : memref<128x64xf32, #tpu.memory_space<hbm>>) target_semaphore(%arg23 : memref<!tpu.dma_semaphore, #tpu.memory_space<semaphore_mem>>)
      %mul3A_117 = arith.constant 8 : i32
      %mul3A_118 = arith.muli %mul3A_117, %scan3A_8 : i32
      %add3A_119 = arith.constant 2 : i32
      %add3A_120 = arith.addi %mul3A_118, %add3A_119 : i32
      %dma_wait3A_121 = tpu.memref_slice %arg5[%mul3A_33] : memref<25600xi32, #tpu.memory_space<vmem>> -> memref<128xi32, #tpu.memory_space<vmem>>
      %dma_wait3A_122 = arith.constant 0 : i32
      %dma_wait3A_123 = arith.constant 0 : i32
      %dma_wait3A_124 = tpu.memref_slice %arg2[%dma_wait3A_122, %dma_wait3A_123] : memref<1000001x64xf32, #tpu.memory_space<hbm>> -> memref<1000001x64xf32, #tpu.memory_space<hbm>>
      tpu.wait_indirect_dma semaphore(%arg16 : memref<!tpu.dma_semaphore, #tpu.memory_space<semaphore_mem>>) src(%dma_wait3A_124 : memref<1000001x64xf32, #tpu.memory_space<hbm>>) dst(%arg8 : memref<128x64xf32, #tpu.memory_space<vmem>>)
      %mul3A_125 = arith.constant 128 : i32
      %mul3A_126 = arith.muli %add3A_120, %mul3A_125 : i32
      %add3A_127 = arith.addi %mul3A_2, %mul3A_126 : i32
      %dma_start3A_128 = arith.constant 0 : i32
      %dma_start3A_129 = tpu.memref_slice %arg4[%add3A_127, %dma_start3A_128] : memref<819200x64xf32, #tpu.memory_space<hbm>> -> memref<128x64xf32, #tpu.memory_space<hbm>>
      %dma_start3A_130 = arith.constant 0 : i32
      %dma_start3A_131 = tpu.memref_slice %arg4[%add3A_127, %dma_start3A_130] : memref<819200x64xf32, #tpu.memory_space<hbm>> -> memref<128x64xf32, #tpu.memory_space<hbm>>
      tpu.enqueue_dma source(%arg8 : memref<128x64xf32, #tpu.memory_space<vmem>>) target(%dma_start3A_131 : memref<128x64xf32, #tpu.memory_space<hbm>>) target_semaphore(%arg24 : memref<!tpu.dma_semaphore, #tpu.memory_space<semaphore_mem>>)
      %mul3A_132 = arith.constant 8 : i32
      %mul3A_133 = arith.muli %mul3A_132, %scan3A_8 : i32
      %add3A_134 = arith.constant 3 : i32
      %add3A_135 = arith.addi %mul3A_133, %add3A_134 : i32
      %dma_wait3A_136 = tpu.memref_slice %arg5[%mul3A_43] : memref<25600xi32, #tpu.memory_space<vmem>> -> memref<128xi32, #tpu.memory_space<vmem>>
      %dma_wait3A_137 = arith.constant 0 : i32
      %dma_wait3A_138 = arith.constant 0 : i32
      %dma_wait3A_139 = tpu.memref_slice %arg2[%dma_wait3A_137, %dma_wait3A_138] : memref<1000001x64xf32, #tpu.memory_space<hbm>> -> memref<1000001x64xf32, #tpu.memory_space<hbm>>
      tpu.wait_indirect_dma semaphore(%arg17 : memref<!tpu.dma_semaphore, #tpu.memory_space<semaphore_mem>>) src(%dma_wait3A_139 : memref<1000001x64xf32, #tpu.memory_space<hbm>>) dst(%arg9 : memref<128x64xf32, #tpu.memory_space<vmem>>)
      %mul3A_140 = arith.constant 128 : i32
      %mul3A_141 = arith.muli %add3A_135, %mul3A_140 : i32
      %add3A_142 = arith.addi %mul3A_2, %mul3A_141 : i32
      %dma_start3A_143 = arith.constant 0 : i32
      %dma_start3A_144 = tpu.memref_slice %arg4[%add3A_142, %dma_start3A_143] : memref<819200x64xf32, #tpu.memory_space<hbm>> -> memref<128x64xf32, #tpu.memory_space<hbm>>
      %dma_start3A_145 = arith.constant 0 : i32
      %dma_start3A_146 = tpu.memref_slice %arg4[%add3A_142, %dma_start3A_145] : memref<819200x64xf32, #tpu.memory_space<hbm>> -> memref<128x64xf32, #tpu.memory_space<hbm>>
      tpu.enqueue_dma source(%arg9 : memref<128x64xf32, #tpu.memory_space<vmem>>) target(%dma_start3A_146 : memref<128x64xf32, #tpu.memory_space<hbm>>) target_semaphore(%arg25 : memref<!tpu.dma_semaphore, #tpu.memory_space<semaphore_mem>>)
      %mul3A_147 = arith.constant 8 : i32
      %mul3A_148 = arith.muli %mul3A_147, %scan3A_8 : i32
      %add3A_149 = arith.constant 4 : i32
      %add3A_150 = arith.addi %mul3A_148, %add3A_149 : i32
      %dma_wait3A_151 = tpu.memref_slice %arg5[%mul3A_53] : memref<25600xi32, #tpu.memory_space<vmem>> -> memref<128xi32, #tpu.memory_space<vmem>>
      %dma_wait3A_152 = arith.constant 0 : i32
      %dma_wait3A_153 = arith.constant 0 : i32
      %dma_wait3A_154 = tpu.memref_slice %arg2[%dma_wait3A_152, %dma_wait3A_153] : memref<1000001x64xf32, #tpu.memory_space<hbm>> -> memref<1000001x64xf32, #tpu.memory_space<hbm>>
      tpu.wait_indirect_dma semaphore(%arg18 : memref<!tpu.dma_semaphore, #tpu.memory_space<semaphore_mem>>) src(%dma_wait3A_154 : memref<1000001x64xf32, #tpu.memory_space<hbm>>) dst(%arg10 : memref<128x64xf32, #tpu.memory_space<vmem>>)
      %mul3A_155 = arith.constant 128 : i32
      %mul3A_156 = arith.muli %add3A_150, %mul3A_155 : i32
      %add3A_157 = arith.addi %mul3A_2, %mul3A_156 : i32
      %dma_start3A_158 = arith.constant 0 : i32
      %dma_start3A_159 = tpu.memref_slice %arg4[%add3A_157, %dma_start3A_158] : memref<819200x64xf32, #tpu.memory_space<hbm>> -> memref<128x64xf32, #tpu.memory_space<hbm>>
      %dma_start3A_160 = arith.constant 0 : i32
      %dma_start3A_161 = tpu.memref_slice %arg4[%add3A_157, %dma_start3A_160] : memref<819200x64xf32, #tpu.memory_space<hbm>> -> memref<128x64xf32, #tpu.memory_space<hbm>>
      tpu.enqueue_dma source(%arg10 : memref<128x64xf32, #tpu.memory_space<vmem>>) target(%dma_start3A_161 : memref<128x64xf32, #tpu.memory_space<hbm>>) target_semaphore(%arg26 : memref<!tpu.dma_semaphore, #tpu.memory_space<semaphore_mem>>)
      %mul3A_162 = arith.constant 8 : i32
      %mul3A_163 = arith.muli %mul3A_162, %scan3A_8 : i32
      %add3A_164 = arith.constant 5 : i32
      %add3A_165 = arith.addi %mul3A_163, %add3A_164 : i32
      %dma_wait3A_166 = tpu.memref_slice %arg5[%mul3A_63] : memref<25600xi32, #tpu.memory_space<vmem>> -> memref<128xi32, #tpu.memory_space<vmem>>
      %dma_wait3A_167 = arith.constant 0 : i32
      %dma_wait3A_168 = arith.constant 0 : i32
      %dma_wait3A_169 = tpu.memref_slice %arg2[%dma_wait3A_167, %dma_wait3A_168] : memref<1000001x64xf32, #tpu.memory_space<hbm>> -> memref<1000001x64xf32, #tpu.memory_space<hbm>>
      tpu.wait_indirect_dma semaphore(%arg19 : memref<!tpu.dma_semaphore, #tpu.memory_space<semaphore_mem>>) src(%dma_wait3A_169 : memref<1000001x64xf32, #tpu.memory_space<hbm>>) dst(%arg11 : memref<128x64xf32, #tpu.memory_space<vmem>>)
      %mul3A_170 = arith.constant 128 : i32
      %mul3A_171 = arith.muli %add3A_165, %mul3A_170 : i32
      %add3A_172 = arith.addi %mul3A_2, %mul3A_171 : i32
      %dma_start3A_173 = arith.constant 0 : i32
      %dma_start3A_174 = tpu.memref_slice %arg4[%add3A_172, %dma_start3A_173] : memref<819200x64xf32, #tpu.memory_space<hbm>> -> memref<128x64xf32, #tpu.memory_space<hbm>>
      %dma_start3A_175 = arith.constant 0 : i32
      %dma_start3A_176 = tpu.memref_slice %arg4[%add3A_172, %dma_start3A_175] : memref<819200x64xf32, #tpu.memory_space<hbm>> -> memref<128x64xf32, #tpu.memory_space<hbm>>
      tpu.enqueue_dma source(%arg11 : memref<128x64xf32, #tpu.memory_space<vmem>>) target(%dma_start3A_176 : memref<128x64xf32, #tpu.memory_space<hbm>>) target_semaphore(%arg27 : memref<!tpu.dma_semaphore, #tpu.memory_space<semaphore_mem>>)
      %mul3A_177 = arith.constant 8 : i32
      %mul3A_178 = arith.muli %mul3A_177, %scan3A_8 : i32
      %add3A_179 = arith.constant 6 : i32
      %add3A_180 = arith.addi %mul3A_178, %add3A_179 : i32
      %dma_wait3A_181 = tpu.memref_slice %arg5[%mul3A_73] : memref<25600xi32, #tpu.memory_space<vmem>> -> memref<128xi32, #tpu.memory_space<vmem>>
      %dma_wait3A_182 = arith.constant 0 : i32
      %dma_wait3A_183 = arith.constant 0 : i32
      %dma_wait3A_184 = tpu.memref_slice %arg2[%dma_wait3A_182, %dma_wait3A_183] : memref<1000001x64xf32, #tpu.memory_space<hbm>> -> memref<1000001x64xf32, #tpu.memory_space<hbm>>
      tpu.wait_indirect_dma semaphore(%arg20 : memref<!tpu.dma_semaphore, #tpu.memory_space<semaphore_mem>>) src(%dma_wait3A_184 : memref<1000001x64xf32, #tpu.memory_space<hbm>>) dst(%arg12 : memref<128x64xf32, #tpu.memory_space<vmem>>)
      %mul3A_185 = arith.constant 128 : i32
      %mul3A_186 = arith.muli %add3A_180, %mul3A_185 : i32
      %add3A_187 = arith.addi %mul3A_2, %mul3A_186 : i32
      %dma_start3A_188 = arith.constant 0 : i32
      %dma_start3A_189 = tpu.memref_slice %arg4[%add3A_187, %dma_start3A_188] : memref<819200x64xf32, #tpu.memory_space<hbm>> -> memref<128x64xf32, #tpu.memory_space<hbm>>
      %dma_start3A_190 = arith.constant 0 : i32
      %dma_start3A_191 = tpu.memref_slice %arg4[%add3A_187, %dma_start3A_190] : memref<819200x64xf32, #tpu.memory_space<hbm>> -> memref<128x64xf32, #tpu.memory_space<hbm>>
      tpu.enqueue_dma source(%arg12 : memref<128x64xf32, #tpu.memory_space<vmem>>) target(%dma_start3A_191 : memref<128x64xf32, #tpu.memory_space<hbm>>) target_semaphore(%arg28 : memref<!tpu.dma_semaphore, #tpu.memory_space<semaphore_mem>>)
      %mul3A_192 = arith.constant 8 : i32
      %mul3A_193 = arith.muli %mul3A_192, %scan3A_8 : i32
      %add3A_194 = arith.constant 7 : i32
      %add3A_195 = arith.addi %mul3A_193, %add3A_194 : i32
      %dma_wait3A_196 = tpu.memref_slice %arg5[%mul3A_83] : memref<25600xi32, #tpu.memory_space<vmem>> -> memref<128xi32, #tpu.memory_space<vmem>>
      %dma_wait3A_197 = arith.constant 0 : i32
      %dma_wait3A_198 = arith.constant 0 : i32
      %dma_wait3A_199 = tpu.memref_slice %arg2[%dma_wait3A_197, %dma_wait3A_198] : memref<1000001x64xf32, #tpu.memory_space<hbm>> -> memref<1000001x64xf32, #tpu.memory_space<hbm>>
      tpu.wait_indirect_dma semaphore(%arg21 : memref<!tpu.dma_semaphore, #tpu.memory_space<semaphore_mem>>) src(%dma_wait3A_199 : memref<1000001x64xf32, #tpu.memory_space<hbm>>) dst(%arg13 : memref<128x64xf32, #tpu.memory_space<vmem>>)
      %mul3A_200 = arith.constant 128 : i32
      %mul3A_201 = arith.muli %add3A_195, %mul3A_200 : i32
      %add3A_202 = arith.addi %mul3A_2, %mul3A_201 : i32
      %dma_start3A_203 = arith.constant 0 : i32
      %dma_start3A_204 = tpu.memref_slice %arg4[%add3A_202, %dma_start3A_203] : memref<819200x64xf32, #tpu.memory_space<hbm>> -> memref<128x64xf32, #tpu.memory_space<hbm>>
      %dma_start3A_205 = arith.constant 0 : i32
      %dma_start3A_206 = tpu.memref_slice %arg4[%add3A_202, %dma_start3A_205] : memref<819200x64xf32, #tpu.memory_space<hbm>> -> memref<128x64xf32, #tpu.memory_space<hbm>>
      tpu.enqueue_dma source(%arg13 : memref<128x64xf32, #tpu.memory_space<vmem>>) target(%dma_start3A_206 : memref<128x64xf32, #tpu.memory_space<hbm>>) target_semaphore(%arg29 : memref<!tpu.dma_semaphore, #tpu.memory_space<semaphore_mem>>)
      %dma_wait3A_207 = arith.constant 0 : i32
      %dma_wait3A_208 = tpu.memref_slice %arg4[%add3A_97, %dma_wait3A_207] : memref<819200x64xf32, #tpu.memory_space<hbm>> -> memref<128x64xf32, #tpu.memory_space<hbm>>
      %dma_wait3A_209 = arith.constant 0 : i32
      %dma_wait3A_210 = tpu.memref_slice %arg4[%add3A_97, %dma_wait3A_209] : memref<819200x64xf32, #tpu.memory_space<hbm>> -> memref<128x64xf32, #tpu.memory_space<hbm>>
      tpu.wait_dma2 semaphore(%arg22 : memref<!tpu.dma_semaphore, #tpu.memory_space<semaphore_mem>>) src(%arg6 : memref<128x64xf32, #tpu.memory_space<vmem>>) dst(%dma_wait3A_210 : memref<128x64xf32, #tpu.memory_space<hbm>>)
      %dma_wait3A_211 = arith.constant 0 : i32
      %dma_wait3A_212 = tpu.memref_slice %arg4[%add3A_112, %dma_wait3A_211] : memref<819200x64xf32, #tpu.memory_space<hbm>> -> memref<128x64xf32, #tpu.memory_space<hbm>>
      %dma_wait3A_213 = arith.constant 0 : i32
      %dma_wait3A_214 = tpu.memref_slice %arg4[%add3A_112, %dma_wait3A_213] : memref<819200x64xf32, #tpu.memory_space<hbm>> -> memref<128x64xf32, #tpu.memory_space<hbm>>
      tpu.wait_dma2 semaphore(%arg23 : memref<!tpu.dma_semaphore, #tpu.memory_space<semaphore_mem>>) src(%arg7 : memref<128x64xf32, #tpu.memory_space<vmem>>) dst(%dma_wait3A_214 : memref<128x64xf32, #tpu.memory_space<hbm>>)
      %dma_wait3A_215 = arith.constant 0 : i32
      %dma_wait3A_216 = tpu.memref_slice %arg4[%add3A_127, %dma_wait3A_215] : memref<819200x64xf32, #tpu.memory_space<hbm>> -> memref<128x64xf32, #tpu.memory_space<hbm>>
      %dma_wait3A_217 = arith.constant 0 : i32
      %dma_wait3A_218 = tpu.memref_slice %arg4[%add3A_127, %dma_wait3A_217] : memref<819200x64xf32, #tpu.memory_space<hbm>> -> memref<128x64xf32, #tpu.memory_space<hbm>>
      tpu.wait_dma2 semaphore(%arg24 : memref<!tpu.dma_semaphore, #tpu.memory_space<semaphore_mem>>) src(%arg8 : memref<128x64xf32, #tpu.memory_space<vmem>>) dst(%dma_wait3A_218 : memref<128x64xf32, #tpu.memory_space<hbm>>)
      %dma_wait3A_219 = arith.constant 0 : i32
      %dma_wait3A_220 = tpu.memref_slice %arg4[%add3A_142, %dma_wait3A_219] : memref<819200x64xf32, #tpu.memory_space<hbm>> -> memref<128x64xf32, #tpu.memory_space<hbm>>
      %dma_wait3A_221 = arith.constant 0 : i32
      %dma_wait3A_222 = tpu.memref_slice %arg4[%add3A_142, %dma_wait3A_221] : memref<819200x64xf32, #tpu.memory_space<hbm>> -> memref<128x64xf32, #tpu.memory_space<hbm>>
      tpu.wait_dma2 semaphore(%arg25 : memref<!tpu.dma_semaphore, #tpu.memory_space<semaphore_mem>>) src(%arg9 : memref<128x64xf32, #tpu.memory_space<vmem>>) dst(%dma_wait3A_222 : memref<128x64xf32, #tpu.memory_space<hbm>>)
      %dma_wait3A_223 = arith.constant 0 : i32
      %dma_wait3A_224 = tpu.memref_slice %arg4[%add3A_157, %dma_wait3A_223] : memref<819200x64xf32, #tpu.memory_space<hbm>> -> memref<128x64xf32, #tpu.memory_space<hbm>>
      %dma_wait3A_225 = arith.constant 0 : i32
      %dma_wait3A_226 = tpu.memref_slice %arg4[%add3A_157, %dma_wait3A_225] : memref<819200x64xf32, #tpu.memory_space<hbm>> -> memref<128x64xf32, #tpu.memory_space<hbm>>
      tpu.wait_dma2 semaphore(%arg26 : memref<!tpu.dma_semaphore, #tpu.memory_space<semaphore_mem>>) src(%arg10 : memref<128x64xf32, #tpu.memory_space<vmem>>) dst(%dma_wait3A_226 : memref<128x64xf32, #tpu.memory_space<hbm>>)
      %dma_wait3A_227 = arith.constant 0 : i32
      %dma_wait3A_228 = tpu.memref_slice %arg4[%add3A_172, %dma_wait3A_227] : memref<819200x64xf32, #tpu.memory_space<hbm>> -> memref<128x64xf32, #tpu.memory_space<hbm>>
      %dma_wait3A_229 = arith.constant 0 : i32
      %dma_wait3A_230 = tpu.memref_slice %arg4[%add3A_172, %dma_wait3A_229] : memref<819200x64xf32, #tpu.memory_space<hbm>> -> memref<128x64xf32, #tpu.memory_space<hbm>>
      tpu.wait_dma2 semaphore(%arg27 : memref<!tpu.dma_semaphore, #tpu.memory_space<semaphore_mem>>) src(%arg11 : memref<128x64xf32, #tpu.memory_space<vmem>>) dst(%dma_wait3A_230 : memref<128x64xf32, #tpu.memory_space<hbm>>)
      %dma_wait3A_231 = arith.constant 0 : i32
      %dma_wait3A_232 = tpu.memref_slice %arg4[%add3A_187, %dma_wait3A_231] : memref<819200x64xf32, #tpu.memory_space<hbm>> -> memref<128x64xf32, #tpu.memory_space<hbm>>
      %dma_wait3A_233 = arith.constant 0 : i32
      %dma_wait3A_234 = tpu.memref_slice %arg4[%add3A_187, %dma_wait3A_233] : memref<819200x64xf32, #tpu.memory_space<hbm>> -> memref<128x64xf32, #tpu.memory_space<hbm>>
      tpu.wait_dma2 semaphore(%arg28 : memref<!tpu.dma_semaphore, #tpu.memory_space<semaphore_mem>>) src(%arg12 : memref<128x64xf32, #tpu.memory_space<vmem>>) dst(%dma_wait3A_234 : memref<128x64xf32, #tpu.memory_space<hbm>>)
      %dma_wait3A_235 = arith.constant 0 : i32
      %dma_wait3A_236 = tpu.memref_slice %arg4[%add3A_202, %dma_wait3A_235] : memref<819200x64xf32, #tpu.memory_space<hbm>> -> memref<128x64xf32, #tpu.memory_space<hbm>>
      %dma_wait3A_237 = arith.constant 0 : i32
      %dma_wait3A_238 = tpu.memref_slice %arg4[%add3A_202, %dma_wait3A_237] : memref<819200x64xf32, #tpu.memory_space<hbm>> -> memref<128x64xf32, #tpu.memory_space<hbm>>
      tpu.wait_dma2 semaphore(%arg29 : memref<!tpu.dma_semaphore, #tpu.memory_space<semaphore_mem>>) src(%arg13 : memref<128x64xf32, #tpu.memory_space<vmem>>) dst(%dma_wait3A_238 : memref<128x64xf32, #tpu.memory_space<hbm>>)
    }
    %scan3A_7 = arith.constant 25 : i32
    return
  }
}

module attributes {stable_mosaic.version = 14 : i64} {
  func.func @_mm_body(%arg0: i32, %arg1: memref<1048576xf32, #tpu.memory_space<vmem>>, %arg2: memref<64x64xf32, #tpu.memory_space<vmem>>, %arg3: memref<1x64xf32, #tpu.memory_space<vmem>>, %arg4: memref<64x64xf32, #tpu.memory_space<vmem>>, %arg5: memref<1x64xf32, #tpu.memory_space<vmem>>, %arg6: memref<1048576xf32, #tpu.memory_space<vmem>>) attributes {dimension_semantics = [#tpu.dimension_semantics<arbitrary>], iteration_bounds = array<i64: 50>, scalar_prefetch = 0 : i64, scratch_operands = 0 : i64, tpu.core_type = #tpu.core_type<tc>, window_params = [{transform_indices = @transform_0, window_bounds = array<i64: 1048576>}, {pipeline_mode = #tpu.pipeline_mode<synchronous>, transform_indices = @transform_1, window_bounds = array<i64: 64, 64>}, {pipeline_mode = #tpu.pipeline_mode<synchronous>, transform_indices = @transform_2, window_bounds = array<i64: 1, 64>}, {pipeline_mode = #tpu.pipeline_mode<synchronous>, transform_indices = @transform_3, window_bounds = array<i64: 64, 64>}, {pipeline_mode = #tpu.pipeline_mode<synchronous>, transform_indices = @transform_4, window_bounds = array<i64: 1, 64>}, {transform_indices = @transform_5, window_bounds = array<i64: 1048576>}]} {
    %broadcast_in_dim3A = arith.constant 0.000000e+00 : f32
    %broadcast_in_dim3A_0 = vector.broadcast %broadcast_in_dim3A : f32 to vector<64x64xf32>
    %get3A = arith.constant 0 : index
    %get3A_1 = arith.constant 0 : index
    %get3A_2 = vector.load %arg2[%get3A, %get3A_1] : memref<64x64xf32, #tpu.memory_space<vmem>>, vector<64x64xf32>
    %concatenate3A = tpu.concatenate %get3A_2, %broadcast_in_dim3A_0 in 1 : vector<64x64xf32>, vector<64x64xf32> -> vector<64x128xf32>
    %get3A_3 = arith.constant 0 : index
    %get3A_4 = arith.constant 0 : index
    %get3A_5 = vector.load %arg2[%get3A_3, %get3A_4] : memref<64x64xf32, #tpu.memory_space<vmem>>, vector<64x64xf32>
    %concatenate3A_6 = tpu.concatenate %broadcast_in_dim3A_0, %get3A_5 in 1 : vector<64x64xf32>, vector<64x64xf32> -> vector<64x128xf32>
    %concatenate3A_7 = tpu.concatenate %concatenate3A, %concatenate3A_6 in 0 : vector<64x128xf32>, vector<64x128xf32> -> vector<128x128xf32>
    %get3A_8 = arith.constant 0 : index
    %get3A_9 = arith.constant 0 : index
    %get3A_10 = vector.load %arg4[%get3A_8, %get3A_9] : memref<64x64xf32, #tpu.memory_space<vmem>>, vector<64x64xf32>
    %concatenate3A_11 = tpu.concatenate %get3A_10, %broadcast_in_dim3A_0 in 1 : vector<64x64xf32>, vector<64x64xf32> -> vector<64x128xf32>
    %get3A_12 = arith.constant 0 : index
    %get3A_13 = arith.constant 0 : index
    %get3A_14 = vector.load %arg4[%get3A_12, %get3A_13] : memref<64x64xf32, #tpu.memory_space<vmem>>, vector<64x64xf32>
    %concatenate3A_15 = tpu.concatenate %broadcast_in_dim3A_0, %get3A_14 in 1 : vector<64x64xf32>, vector<64x64xf32> -> vector<64x128xf32>
    %concatenate3A_16 = tpu.concatenate %concatenate3A_11, %concatenate3A_15 in 0 : vector<64x128xf32>, vector<64x128xf32> -> vector<128x128xf32>
    %get3A_17 = arith.constant 0 : index
    %get3A_18 = arith.constant 0 : index
    %get3A_19 = vector.load %arg3[%get3A_17, %get3A_18] : memref<1x64xf32, #tpu.memory_space<vmem>>, vector<1x64xf32>
    %get3A_20 = arith.constant 0 : index
    %get3A_21 = arith.constant 0 : index
    %get3A_22 = vector.load %arg3[%get3A_20, %get3A_21] : memref<1x64xf32, #tpu.memory_space<vmem>>, vector<1x64xf32>
    %concatenate3A_23 = tpu.concatenate %get3A_19, %get3A_22 in 1 : vector<1x64xf32>, vector<1x64xf32> -> vector<1x128xf32>
    %get3A_24 = arith.constant 0 : index
    %get3A_25 = arith.constant 0 : index
    %get3A_26 = vector.load %arg5[%get3A_24, %get3A_25] : memref<1x64xf32, #tpu.memory_space<vmem>>, vector<1x64xf32>
    %get3A_27 = arith.constant 0 : index
    %get3A_28 = arith.constant 0 : index
    %get3A_29 = vector.load %arg5[%get3A_27, %get3A_28] : memref<1x64xf32, #tpu.memory_space<vmem>>, vector<1x64xf32>
    %concatenate3A_30 = tpu.concatenate %get3A_26, %get3A_29 in 1 : vector<1x64xf32>, vector<1x64xf32> -> vector<1x128xf32>
    %get3A_31 = arith.constant 0 : index
    %get3A_32 = vector.load %arg1[%get3A_31] : memref<1048576xf32, #tpu.memory_space<vmem>>, vector<1048576xf32>
    %reshape3A = vector.shape_cast %get3A_32 : vector<1048576xf32> to vector<8192x128xf32>
    %dot_general3A = arith.constant dense<0.000000e+00> : vector<8192x128xf32>
    %dot_general3A_33 = tpu.matmul %reshape3A, %concatenate3A_7, %dot_general3A {dimension_numbers = #tpu.dot_dimension_numbers<[1], [0], [0], [1], [0, 0, 1, 1], [], []>, transpose_lhs_hint = false} : vector<8192x128xf32>, vector<128x128xf32>, vector<8192x128xf32> -> vector<8192x128xf32>
    %add3A = vector.broadcast %concatenate3A_23 : vector<1x128xf32> to vector<8192x128xf32>
    %add3A_34 = arith.addf %dot_general3A_33, %add3A : vector<8192x128xf32>
    %dot_general3A_35 = arith.constant dense<0.000000e+00> : vector<8192x128xf32>
    %dot_general3A_36 = tpu.matmul %add3A_34, %concatenate3A_16, %dot_general3A_35 {dimension_numbers = #tpu.dot_dimension_numbers<[1], [0], [0], [1], [0, 0, 1, 1], [], []>, transpose_lhs_hint = false} : vector<8192x128xf32>, vector<128x128xf32>, vector<8192x128xf32> -> vector<8192x128xf32>
    %add3A_37 = vector.broadcast %concatenate3A_30 : vector<1x128xf32> to vector<8192x128xf32>
    %add3A_38 = arith.addf %dot_general3A_36, %add3A_37 : vector<8192x128xf32>
    %reshape3A_39 = vector.shape_cast %add3A_38 : vector<8192x128xf32> to vector<1048576xf32>
    %swap3A = arith.constant 0 : index
    %swap3A_40 = vector.load %arg6[%swap3A] : memref<1048576xf32, #tpu.memory_space<vmem>>, vector<1048576xf32>
    tpu.vector_store %arg6[%swap3A], %reshape3A_39 {strides = array<i32>} : memref<1048576xf32, #tpu.memory_space<vmem>>, vector<1048576xf32>,
    return
  }
  func.func @transform_0(%arg0: i32) -> i32 {
    %c0_i32 = arith.constant 0 : i32
    return %arg0 : i32
  }
  func.func @transform_1(%arg0: i32) -> (i32, i32) {
    %c0_i32 = arith.constant 0 : i32
    %c0_i32_0 = arith.constant 0 : i32
    %c0_i32_1 = arith.constant 0 : i32
    return %c0_i32, %c0_i32_0 : i32, i32
  }
  func.func @transform_2(%arg0: i32) -> (i32, i32) {
    %c0_i32 = arith.constant 0 : i32
    %c0_i32_0 = arith.constant 0 : i32
    %c0_i32_1 = arith.constant 0 : i32
    return %c0_i32, %c0_i32_0 : i32, i32
  }
  func.func @transform_3(%arg0: i32) -> (i32, i32) {
    %c0_i32 = arith.constant 0 : i32
    %c0_i32_0 = arith.constant 0 : i32
    %c0_i32_1 = arith.constant 0 : i32
    return %c0_i32, %c0_i32_0 : i32, i32
  }
  func.func @transform_4(%arg0: i32) -> (i32, i32) {
    %c0_i32 = arith.constant 0 : i32
    %c0_i32_0 = arith.constant 0 : i32
    %c0_i32_1 = arith.constant 0 : i32
    return %c0_i32, %c0_i32_0 : i32, i32
  }
  func.func @transform_5(%arg0: i32) -> i32 {
    %c0_i32 = arith.constant 0 : i32
    return %arg0 : i32
  }
}

</mosaic_0001>

<sc_bundles>
// kernel: kernel.4.cloned.1.call-start
scs
__scs_entry_jumppad:
0x0: {  	(pc) =	sbr.rel $0x88, $3  }
0x1: {  	(tag) =	ssettag $0x0;
	lr =	simm.s32 $0x1  }
0x2: {  	[smem:$0x3F9B] =	sst lr;
	_ =	strace $0xD0000000  }
0x3: {  	_ = 	snop  }
0x4: {  	_ = 	snop  }
0x5: {  	_ = 	snop  }
0x6: {  	_ = 	snop  }
0x7: {  	_ = 	snop  }
__scs_overlays_trampoline_lowered:
0x8: {  	[smem:$0x3FAA] =	sst s0  }
0x9: {  	[smem:$0x3FAB] =	sst s1  }
0xa: {  	[smem:$0x3FAC] =	sst s2  }
0xb: {  	[smem:$0x3FAD] =	sst s3  }
0xc: {  	[smem:$0x3FAE] =	sst s4  }
0xd: {  	[smem:$0x3FAF] =	sst s5  }
0xe: {  	[smem:$0x3FB0] =	sst s6  }
0xf: {  	[smem:$0x3FB1] =	sst s7  }
0x10: {  	[smem:$0x3FB2] =	sst s8  }
0x11: {  	[smem:$0x3FB3] =	sst s9;
	s0 =	simm.s32 @!p0 $0x0  }
0x12: {  	s1 =	sld [smem:$0x3F99];
	s0 =	simm.s32 @p0 $0x1  }
0x13: {  	[smem:$0x3FB4] =	sst s0;
	s0 =	simm.s32 @!p1 $0x0  }
0x14: {  	s2 =	sld [smem:$0x3F98];
	s0 =	simm.s32 @p1 $0x1  }
0x15: {  	[smem:$0x3FB5] =	sst s0;
	s0 =	simm.s32 @!p2 $0x0  }
0x16: {  	s3 =	sld [smem:$0x3FDB];
	s0 =	simm.s32 @p2 $0x1  }
0x17: {  	s4 =	simm.s32 $0x1BF5;
	[smem:$0x3FB7] =	sst s0  }
0x18: {  	s0 =	sld [smem:$0x3F9A];
	_ =	swait.ge [sflag:s4], $0x0  }
0x19: {  	s7 =	sld [smem:$0x3F9B]  }
0x1a: {  	s8 =	sadd.s32 $0xFFFFE003, lr  }
0x1b: {  	s9 =	sadd.s32 $0xFFFFFEF7, lr;
	s5 =	simm.s32 $0xFFFFFFFF;
	p2 =	slt.u32 s8, $0xFFFFF086  }
0x1c: {  	p1 =	slt.u32 s9, $0xF7A;
	s5 =	simm.s32 @!p2 $0x0  }
0x1d: {  	s5 =	simm.s32 @p1 $0x1;
	p0 =	seq.s32 s7, s2  }
0x1e: {  	s7 =	smul.u32 @!p0 $0xF7A, s2;
	p2 =	seq.s32 @!p0 s5, $0x0  }
0x1f: {  	s9 =	smul.u32 $0xF7A, s1;
	s8 =	simm.s32 @!p0 $0x1BF5;
	p2 =	por !p2, p0  }
0x20: {  	[sflag:s8] =	ssyncset.s32 @!p0 $0xFFFFF086;
	s6 =	sadd.s32 @!p0 s3, s7;
	s7 =	simm.s32 @!p0 $0x108  }
0x21: {  	s3 =	sadd.s32 s3, s9;
	s6 =	sadd.s32 @!p0 $0x88, s6;
	s7 =	simm.s32 @p2 $0x1082  }
0x22: {  	[simem:s7], [sflag:s8] =	dma.local @!p0 [hbm:s6], $0xF7A  }
0x23: {  	s9 =	sor.u32 $0xD0000000, s2;
	s6 =	simm.s32 $0x108;
	_ =	swait.ge @!p0 [sflag:s8], $0x0  }
0x24: {  	s3 =	sadd.s32 $0x88, s3;
	s6 =	simm.s32 @!p1 $0x1082;
	[sflag:s4] =	ssyncset.s32 $0xFFFFF086  }
0x25: {  	[simem:s6], [sflag:s4] =	dma.local [hbm:s3], $0xF7A  }
0x26: {  	[smem:$0x3F9B] =	sst s1;
	(tag) =	ssettag s2;
	_ =	strace s9  }
0x27: {  	s1 =	sld [smem:$0x3FAB]  }
0x28: {  	s2 =	sld [smem:$0x3FAC]  }
0x29: {  	s4 =	sld [smem:$0x3FAE]  }
0x2a: {  	p0 =	seq.s32 s5, $0x0;
	s5 =	sld [smem:$0x3FAF]  }
0x2b: {  	s6 =	sld [smem:$0x3FB0]  }
0x2c: {  	s7 =	sld [smem:$0x3FB1]  }
0x2d: {  	s3 =	simm.s32 $0x108;
	s8 =	sld [smem:$0x3FB2]  }
0x2e: {  	s3 =	simm.s32 @!p0 $0x1082;
	s9 =	sld [smem:$0x3FB3]  }
0x2f: {  	lr =	sadd.s32 s0, s3;
	s0 =	sld [smem:$0x3FAA]  }
0x30: {  	s3 =	sld [smem:$0x3FAD]  }
0x31: {  	[smem:$0x3FB6] =	sst s10  }
0x32: {  	s10 =	sld [smem:$0x3FB4];
	_ =	sdelay $0x3  }
0x33: {  	p0 =	seq.s32 s10, $0x1;
	s10 =	sld [smem:$0x3FB6];
	_ =	sdelay $0x3  }
0x34: {  	[smem:$0x3FB6] =	sst s10  }
0x35: {  	s10 =	sld [smem:$0x3FB5];
	_ =	sdelay $0x3  }
0x36: {  	p1 =	seq.s32 s10, $0x1;
	s10 =	sld [smem:$0x3FB6];
	_ =	sdelay $0x3  }
0x37: {  	[smem:$0x3FB6] =	sst s10  }
0x38: {  	s10 =	sld [smem:$0x3FB7]  }
0x39: {  	_ = 	snop;
	(pc) =	sbr.ind lr, $3  }
0x3a: {  	_ = 	snop  }
0x3b: {  	_ = 	snop  }
0x3c: {  	p2 =	seq.s32 s10, $0x1;
	s10 =	sld [smem:$0x3FB6]  }
0x3d: {  	_ =	shalt  }
0x3e: {  	_ =	shalt  }
0x3f: {  	_ =	shalt  }
0x40: {  	_ =	shalt  }
0x41: {  	_ =	shalt  }
0x42: {  	_ =	shalt  }
0x43: {  	_ =	shalt  }
0x44: {  	_ =	shalt  }
0x45: {  	_ =	shalt  }
0x46: {  	_ =	shalt  }
0x47: {  	_ =	shalt  }
0x48: {  	_ =	shalt  }
0x49: {  	_ =	shalt  }
0x4a: {  	_ =	shalt  }
0x4b: {  	_ =	shalt  }
0x4c: {  	_ =	shalt  }
0x4d: {  	_ =	shalt  }
0x4e: {  	_ =	shalt  }
0x4f: {  	_ =	shalt  }
0x50: {  	_ =	shalt  }
0x51: {  	_ =	shalt  }
0x52: {  	_ =	shalt  }
0x53: {  	_ =	shalt  }
0x54: {  	_ =	shalt  }
0x55: {  	_ =	shalt  }
0x56: {  	_ =	shalt  }
0x57: {  	_ =	shalt  }
0x58: {  	_ =	shalt  }
0x59: {  	_ =	shalt  }
0x5a: {  	_ =	shalt  }
0x5b: {  	_ =	shalt  }
0x5c: {  	_ =	shalt  }
0x5d: {  	_ =	shalt  }
0x5e: {  	_ =	shalt  }
0x5f: {  	_ =	shalt  }
0x60: {  	_ =	shalt  }
0x61: {  	_ =	shalt  }
0x62: {  	_ =	shalt  }
0x63: {  	_ =	shalt  }
0x64: {  	_ =	shalt  }
0x65: {  	_ =	shalt  }
0x66: {  	_ =	shalt  }
0x67: {  	_ =	shalt  }
0x68: {  	_ =	shalt  }
0x69: {  	_ =	shalt  }
0x6a: {  	_ =	shalt  }
0x6b: {  	_ =	shalt  }
0x6c: {  	_ =	shalt  }
0x6d: {  	_ =	shalt  }
0x6e: {  	_ =	shalt  }
0x6f: {  	_ =	shalt  }
0x70: {  	_ =	shalt  }
0x71: {  	_ =	shalt  }
0x72: {  	_ =	shalt  }
0x73: {  	_ =	shalt  }
0x74: {  	_ =	shalt  }
0x75: {  	_ =	shalt  }
0x76: {  	_ =	shalt  }
0x77: {  	_ =	shalt  }
0x78: {  	_ =	shalt  }
0x79: {  	_ =	shalt  }
0x7a: {  	_ =	shalt  }
0x7b: {  	_ =	shalt  }
0x7c: {  	_ =	shalt  }
0x7d: {  	_ =	shalt  }
0x7e: {  	_ =	shalt  }
0x7f: {  	_ =	shalt  }
0x80: {  	_ =	shalt  }
0x81: {  	_ =	shalt  }
0x82: {  	_ =	shalt  }
0x83: {  	_ =	shalt  }
0x84: {  	_ =	shalt  }
0x85: {  	_ =	shalt  }
0x86: {  	_ =	shalt  }
0x87: {  	_ =	shalt  }
.Lfunc_end0:
.L_simem_size_0:
called_computation.1_lowered:
.L_overlay_start_0:
0x88: {  	s2 =	sld [smem:$0x3FD9]  }
0x89: {  	s3 =	sld [smem:$0x3FFE];
	_ =	sdelay $0x1  }
0x8a: {  	s1 =	srdreg.scid  }
0x8b: {  	s0 =	sand.u32 $0x1, s1  }
0x8c: {  	s17 =	sshll.u32 s0, $0xA;
	s2 =	sadd.s32 s3, s2  }
0x8d: {  	s2 =	sadd.s32 s2, s17  }
0x8e: {  	[smem:$0x3FC2] =	sst s2  }
0x8f: {  	_ = 	snop  }
0x90: {  	s2 =	sld [smem:$0x3FD0];
	(tm) =	ssettm $0x1  }
0x91: {  	s18 =	sld [smem:$0x3FFB];
	_ =	sdelay $0x3  }
0x92: {  	_ =	strace s18  }
0x93: {  	s3 =	sld [smem:$0x3FFC];
	_ =	sdelay $0x3  }
0x94: {  	_ =	strace s3  }
0x95: {  	s3 =	sld [smem:$0x3FFD];
	_ =	sdelay $0x3  }
0x96: {  	_ =	strace s3  }
0x97: {  	_ =	strace $0x8FFFFFFF  }
0x98: {  	s19 =	sld [smem:$0x3FDB];
	_ =	sdelay $0x1  }
0x99: {  	s4 =	simm.s32 $_scs_section_size  }
0x9a: {  	s5 =	simm.s32 $_size__tile_overlayer_lowered;
	s6 =	simm.s32 $_tile_overlayer_lowered  }
0x9b: {  	s22 =	simm.s32 $0x1BFF;
	s21 =	sshll.u32 s6, $0x1;
	s3 =	sadd.s32 s4, s19  }
0x9c: {  	s7 =	simm.s32 $0x0;
	s20 =	sshll.u32 s5, $0x1;
	s5 =	sadd.s32 s21, s3  }
0x9d: {  	[timem:s7], [sflag:s22] =	dma.local [hbm:s5], s20  }
0x9e: {  	_ =	swait.ge [sflag:s22], s20  }
0x9f: {  	s4 =	ssub.s32 $0x0, s20;
	[sflag:s22] =	ssyncset.done $0x0  }
0xa0: {  	[sflag:s22] =	ssyncadd.s32 s4;
	_ =	sdelay $0x1  }
0xa1: {  	s23 =	simm.s32 $0x1B8B  }
0xa2: {  	_ =	swait.ge [sflag:s23], $0x1  }
0xa3: {  	[sflag:s23] =	ssyncset.done $0x0  }
0xa4: {  	s25 =	simm.s32 $0x1B8E;
	s24 =	sld [smem:$0x3FFE];
	[sflag:s23] =	ssyncadd.s32 $0xFFFFFFFF  }
0xa5: {  	s26 =	simm.s32 $execute0_lowered;
	[smem:$0x3FD2] =	sst s25  }
0xa6: {  	s5 =	sshll.u32 s26, $0x1;
	_ =	strace $0x80000046;
	[dreg:$0x1] =	wrdreg $0xFFFFFFFF  }
0xa7: {  	s28 =	simm.s32 $_size_execute0_lowered;
	s3 =	sadd.s32 s3, s5;
	[dreg:$0x0] =	wrdreg $0x0  }
0xa8: {  	s5 =	sshll.u32 s28, $0x1;
	[dreg:$0x2] =	wrdreg s3  }
0xa9: {  	[dreg:$0x3] =	wrdreg s5  }
0xaa: {  	[dreg:$0x4] =	wrdreg $0xC0  }
0xab: {  	_ =	task [dreg:s7], $0x5FFFF  }
0xac: {  	[dreg:$0x1] =	wrdreg $0xFFFFFFFF  }
0xad: {  	[dreg:$0x0] =	wrdreg $0x60  }
0xae: {  	[dreg:$0x2] =	wrdreg s24  }
0xaf: {  	[dreg:$0x3] =	wrdreg s2  }
0xb0: {  	[dreg:$0x4] =	wrdreg $0x9  }
0xb1: {  	_ =	task.clear_ibuf [dreg:s7], $0x5FFFF;
	_ =	strace $0x90000046  }
0xb2: {  	s29 =	simm.s32 $0x9;
	_ =	strace $0x80000048  }
0xb3: {  	_ =	swait.ge [sflag:s29], $0x1  }
0xb4: {  	[sflag:s29] =	ssyncadd.s32 $0xFFFFFFFF  }
0xb5: {  	_ =	strace $0x90000048  }
0xb6: {  	_ =	sfence  }
0xb7: {  	s30 =	sld [smem:$0x0];
	_ =	sdelay $0x2  }
0xb8: {  	s31 =	sshll.u32 s1, $0xD;
	s1 =	sshrl.u32 s1, $0x2  }
0xb9: {  	s3 =	sand.u32 $0x4000, s31;
	s1 =	sadd.s32 s1, s30  }
0xba: {  	s0 =	sor.u32 s3, s0;
	s1 =	sshll.u32 s1, $0x11  }
0xbb: {  	s0 =	sor.u32 s1, s0  }
0xbc: {  	s0 =	sadd.s32 $0x8F2B, s0  }
0xbd: {  	[sflag:s0] =	ssyncadd.remote.s32 $0x1  }
0xbe: {  	_ =	sfence.sel $0xFFFF  }
0xbf: {  	[dreg:$0x0] =	wrdreg $0xFFFFFFFF;
	(pc) =	sbr.abs _section_cstart, $3  }
0xc0: {  	[dreg:$0x1] =	wrdreg $0xFFFFFFFF  }
0xc1: {  	_ =	task.clear_ibuf [dreg:s7], $0x2FFFF;
	_ =	strace $0x9FFFFFFF  }
0xc2: {  	(tm) =	ssettm $0x7FFFFFFF  }
0xc3: {  	_ =	shalt  }
tec
execute0_lowered:
.L_overlay_start_1:
0x0: {  	(tag) =	ssettag $0x1  }
0x1: {  	s0 =	rddreg [dreg:$0x0];
	s1 =	srdreg.scid  }
0x2: {  	s9 =	stileid.u32;
	s4 =	rddreg [dreg:$0x1]  }
0x3: {  	s2 =	simm.s32 $0x0;
	s17 =	simm.s32 $0x1;
	s18 =	simm.s32 $0x2  }
0x4: {  	s19 =	simm.s32 $0x3;
	s28 =	simm.s32 $0xB;
	s29 =	simm.s32 $0xC  }
0x5: {  	s30 =	simm.s32 $0xD;
	s1 =	sand.u32 $0x1, s1;
	s3 =	smul.u32 $0xC800, s9  }
0x6: {  	[smem:$0x7FF] =	sst s2;
	s8 =	sshll.u32 s9, $0x1;
	s9 =	smul.u32 $0x64000, s9  }
0x7: {  	s31 =	simm.s32 $0xE;
	s5 =	smul.u32 $0x6400, s1;
	_ =	strace $0x80000047  }
0x8: {  	s6 =	ssub.s32 $0x2, s1;
	s8 =	sor.u32 s1, s8;
	s1 =	smul.u32 $0x32000, s1  }
0x9: {  	s5 =	sadd.s32 s5, s3;
	s3 =	sadd.s32 $0xF43800, s0;
	s0 =	sadd.s32 $0x1200, s0  }
0xa: {  	s1 =	sadd.s32 s1, s9;
	s5 =	sshll.u32 s5, $0x3;
	[dreg:$0xb] =	wrdreg s0  }
0xb: {  	s15 =	simm.s32 $0x10400;
	[dreg:$0xa] =	wrdreg s1;
	s7 =	sor.u32 $0x1800, s5  }
0xc: {  	s16 =	simm.s32 $0x12400;
	s21 =	sor.u32 $0x1400, s5;
	[dreg:$0x3] =	wrdreg s7  }
0xd: {  	s20 =	sshrl.u32 s6, $0x1;
	s22 =	sor.u32 $0x1000, s5;
	[dreg:$0x4] =	wrdreg s21  }
0xe: {  	s8 =	smul.u32 $0x6400, s8;
	s23 =	sor.u32 $0xC00, s5;
	[dreg:$0x5] =	wrdreg s22  }
0xf: {  	s0 =	ssub.s32 s6, s20;
	s24 =	sor.u32 $0x800, s5;
	[dreg:$0x6] =	wrdreg s23  }
0x10: {  	s26 =	sshrl.u32 s8, $0x3;
	s25 =	sor.u32 $0x400, s5;
	[dreg:$0x7] =	wrdreg s24  }
0x11: {  	s8 =	simm.s32 $0x80;
	s5 =	sor.u32 $0x1C00, s5;
	[dreg:$0x8] =	wrdreg s25  }
0x12: {  	s20 =	simm.s32 $0x4;
	s4 =	sadd.s32 s4, s26;
	[dreg:$0x9] =	wrdreg s5  }
0x13: {  	s1 =	simm.s32 $0xF;
	s0 =	smax.u32 s0, $0x1;
	[dreg:$0xc] =	wrdreg s4  }
0x14: {  	s26 =	simm.s32 $0xA;
	[dreg:$0xd] =	wrdreg s0;
	s21 =	simm.s32 $0x5  }
0x15: {  	s22 =	simm.s32 $0x6;
	s23 =	simm.s32 $0x7;
	s24 =	simm.s32 $0x8  }
0x16: {  	s25 =	simm.s32 $0x9;
	s0 =	simm.s32 $0x10;
	s5 =	simm.s32 $0x0  }
.LBB2_1:
0x17: {  	[dreg:$0xe] =	wrdreg s5  }
0x18: {  	s4 =	rddreg [dreg:$0xc];
	s6 =	simm.s32 $0x11  }
0x19: {  	[tilespmem:s2], [sflag:$0x11] =	stream.linear.gather [hbm4b:s4+s2], $0x6400, $0x38;
	[tilespmem:$0x16400] =	vst v63  }
0x1a: {  	_ =	swait.ge [sflag:s6], $0x6400  }
0x1b: {  	[sflag:s6] =	ssyncset.done $0x0  }
0x1c: {  	s7 =	simm.s32 $0x0;
	s5 =	simm.s32 $0x6400;
	[sflag:s6] =	ssyncadd.s32 $0xFFFF9C00  }
0x1d: {  	[tilespmem:s5], [sflag:$0x1] =	stream.indirect.gather [hbm4b:s3+s8], $0x40, s7, s8, $0xb8;
	[tilespmem:$0x16400] =	vst v63  }
0x1e: {  	s9 =	simm.s32 $0x80;
	s7 =	simm.s32 $0x8400  }
0x1f: {  	[tilespmem:s7], [sflag:$0x2] =	stream.indirect.gather [hbm4b:s3+s8], $0x40, s9, s8, $0xb8;
	[tilespmem:$0x16400] =	vst v63  }
0x20: {  	s10 =	simm.s32 $0x100;
	s9 =	simm.s32 $0xA400  }
0x21: {  	[tilespmem:s9], [sflag:$0x3] =	stream.indirect.gather [hbm4b:s3+s8], $0x40, s10, s8, $0xb8;
	[tilespmem:$0x16400] =	vst v63  }
0x22: {  	s11 =	simm.s32 $0x180;
	s10 =	simm.s32 $0xC400  }
0x23: {  	[tilespmem:s10], [sflag:$0x4] =	stream.indirect.gather [hbm4b:s3+s8], $0x40, s11, s8, $0xb8;
	[tilespmem:$0x16400] =	vst v63  }
0x24: {  	s12 =	simm.s32 $0x200;
	s11 =	simm.s32 $0xE400  }
0x25: {  	[tilespmem:s11], [sflag:$0x5] =	stream.indirect.gather [hbm4b:s3+s8], $0x40, s12, s8, $0xb8;
	[tilespmem:$0x16400] =	vst v63  }
0x26: {  	s13 =	simm.s32 $0x280;
	s12 =	simm.s32 $0x10400  }
0x27: {  	[tilespmem:s12], [sflag:$0x6] =	stream.indirect.gather [hbm4b:s3+s8], $0x40, s13, s8, $0xb8;
	[tilespmem:$0x16400] =	vst v63  }
0x28: {  	s14 =	simm.s32 $0x300;
	s13 =	simm.s32 $0x12400  }
0x29: {  	[tilespmem:s13], [sflag:$0x7] =	stream.indirect.gather [hbm4b:s3+s8], $0x40, s14, s8, $0xb8;
	[tilespmem:$0x16400] =	vst v63  }
0x2a: {  	s6 =	simm.s32 $0x380;
	s14 =	simm.s32 $0x14400  }
0x2b: {  	[tilespmem:s14], [sflag:$0x8] =	stream.indirect.gather [hbm4b:s3+s8], $0x40, s6, s8, $0xb8;
	[tilespmem:$0x16400] =	vst v63  }
0x2c: {  	_ =	swait.ge [sflag:s17], $0x2000  }
0x2d: {  	s4 =	rddreg [dreg:$0xa]  }
0x2e: {  	[sflag:s17] =	ssyncset.done $0x0;
	s6 =	rddreg [dreg:$0xb]  }
0x2f: {  	[sflag:s17] =	ssyncadd.s32 $0xFFFFE000;
	s4 =	sadd.s32 s6, s4  }
0x30: {  	[hbm4b:s4+s2] =	stream.linear.scatter [tilespmem:s5], [sflag:$0x9], $0x2000, $0x38;
	[tilespmem:$0x16400] =	vst v63  }
0x31: {  	_ =	swait.ge [sflag:s18], $0x2000  }
0x32: {  	s5 =	rddreg [dreg:$0x8];
	[sflag:s18] =	ssyncset.done $0x0  }
0x33: {  	[sflag:s18] =	ssyncadd.s32 $0xFFFFE000;
	s4 =	sadd.s32 s6, s5  }
0x34: {  	[hbm4b:s4+s2] =	stream.linear.scatter [tilespmem:s7], [sflag:$0xA], $0x2000, $0x38;
	[tilespmem:$0x16400] =	vst v63  }
0x35: {  	_ =	swait.ge [sflag:s19], $0x2000  }
0x36: {  	s7 =	rddreg [dreg:$0x7];
	[sflag:s19] =	ssyncset.done $0x0  }
0x37: {  	[sflag:s19] =	ssyncadd.s32 $0xFFFFE000;
	s4 =	sadd.s32 s6, s7  }
0x38: {  	[hbm4b:s4+s2] =	stream.linear.scatter [tilespmem:s9], [sflag:$0xB], $0x2000, $0x38;
	[tilespmem:$0x16400] =	vst v63  }
0x39: {  	_ =	swait.ge [sflag:s20], $0x2000  }
0x3a: {  	s9 =	rddreg [dreg:$0x6];
	[sflag:s20] =	ssyncset.done $0x0  }
0x3b: {  	[sflag:s20] =	ssyncadd.s32 $0xFFFFE000;
	s4 =	sadd.s32 s6, s9  }
0x3c: {  	[hbm4b:s4+s2] =	stream.linear.scatter [tilespmem:s10], [sflag:$0xC], $0x2000, $0x38;
	[tilespmem:$0x16400] =	vst v63  }
0x3d: {  	_ =	swait.ge [sflag:s21], $0x2000  }
0x3e: {  	s10 =	rddreg [dreg:$0x5];
	[sflag:s21] =	ssyncset.done $0x0  }
0x3f: {  	[sflag:s21] =	ssyncadd.s32 $0xFFFFE000;
	s4 =	sadd.s32 s6, s10  }
0x40: {  	[hbm4b:s4+s2] =	stream.linear.scatter [tilespmem:s11], [sflag:$0xD], $0x2000, $0x38;
	[tilespmem:$0x16400] =	vst v63  }
0x41: {  	_ =	swait.ge [sflag:s22], $0x2000  }
0x42: {  	s11 =	rddreg [dreg:$0x4];
	[sflag:s22] =	ssyncset.done $0x0  }
0x43: {  	[sflag:s22] =	ssyncadd.s32 $0xFFFFE000;
	s4 =	sadd.s32 s6, s11  }
0x44: {  	[hbm4b:s4+s2] =	stream.linear.scatter [tilespmem:s12], [sflag:$0xE], $0x2000, $0x38;
	[tilespmem:$0x16400] =	vst v63  }
0x45: {  	_ =	swait.ge [sflag:s23], $0x2000  }
0x46: {  	s12 =	rddreg [dreg:$0x3];
	[sflag:s23] =	ssyncset.done $0x0  }
0x47: {  	[sflag:s23] =	ssyncadd.s32 $0xFFFFE000;
	s4 =	sadd.s32 s6, s12  }
0x48: {  	[hbm4b:s4+s2] =	stream.linear.scatter [tilespmem:s13], [sflag:$0xF], $0x2000, $0x38;
	[tilespmem:$0x16400] =	vst v63  }
0x49: {  	_ =	swait.ge [sflag:s24], $0x2000  }
0x4a: {  	s13 =	rddreg [dreg:$0x9];
	[sflag:s24] =	ssyncset.done $0x0  }
0x4b: {  	[sflag:s24] =	ssyncadd.s32 $0xFFFFE000;
	s4 =	sadd.s32 s6, s13  }
0x4c: {  	[hbm4b:s4+s2] =	stream.linear.scatter [tilespmem:s14], [sflag:$0x10], $0x2000, $0x38;
	[tilespmem:$0x16400] =	vst v63  }
0x4d: {  	_ =	swait.ge [sflag:s25], $0x2000  }
0x4e: {  	[sflag:s25] =	ssyncset.done $0x0  }
0x4f: {  	[sflag:s25] =	ssyncadd.s32 $0xFFFFE000  }
0x50: {  	_ =	swait.ge [sflag:s26], $0x2000  }
0x51: {  	[sflag:s26] =	ssyncset.done $0x0  }
0x52: {  	[sflag:s26] =	ssyncadd.s32 $0xFFFFE000  }
0x53: {  	_ =	swait.ge [sflag:s28], $0x2000  }
0x54: {  	[sflag:s28] =	ssyncset.done $0x0  }
0x55: {  	[sflag:s28] =	ssyncadd.s32 $0xFFFFE000  }
0x56: {  	_ =	swait.ge [sflag:s29], $0x2000  }
0x57: {  	[sflag:s29] =	ssyncset.done $0x0  }
0x58: {  	[sflag:s29] =	ssyncadd.s32 $0xFFFFE000  }
0x59: {  	_ =	swait.ge [sflag:s30], $0x2000  }
0x5a: {  	[sflag:s30] =	ssyncset.done $0x0  }
0x5b: {  	[sflag:s30] =	ssyncadd.s32 $0xFFFFE000  }
0x5c: {  	_ =	swait.ge [sflag:s31], $0x2000  }
0x5d: {  	[sflag:s31] =	ssyncset.done $0x0  }
0x5e: {  	[sflag:s31] =	ssyncadd.s32 $0xFFFFE000  }
0x5f: {  	_ =	swait.ge [sflag:s1], $0x2000  }
0x60: {  	[sflag:s1] =	ssyncset.done $0x0  }
0x61: {  	[sflag:s1] =	ssyncadd.s32 $0xFFFFE000  }
0x62: {  	s5 =	simm.s32 $0x2000;
	_ =	swait.ge [sflag:s0], $0x2000  }
0x63: {  	s7 =	simm.s32 $0x1000;
	s6 =	sadd.s32 $0x2000, s6;
	[sflag:s0] =	ssyncset.done $0x0  }
.LBB2_2:
0x64: {  	s9 =	sshra.s32 s7, $0x2;
	[sflag:s0] =	ssyncadd.s32 $0xFFFFE000;
	s10 =	simm.s32 $0x6400  }
0x65: {  	[tilespmem:s10], [sflag:$0x1] =	stream.indirect.gather [hbm4b:s3+s8], $0x40, s9, s8, $0xb8;
	[tilespmem:$0x16400] =	vst v63  }
0x66: {  	s11 =	simm.s32 $0x8400;
	s12 =	sadd.s32 $0x80, s9  }
0x67: {  	[tilespmem:s11], [sflag:$0x2] =	stream.indirect.gather [hbm4b:s3+s8], $0x40, s12, s8, $0xb8;
	[tilespmem:$0x16400] =	vst v63  }
0x68: {  	s7 =	smov.u32 s5;
	s13 =	sadd.s32 $0x100, s9;
	s12 =	simm.s32 $0xA400  }
0x69: {  	[tilespmem:s12], [sflag:$0x3] =	stream.indirect.gather [hbm4b:s3+s8], $0x40, s13, s8, $0xb8;
	[tilespmem:$0x16400] =	vst v63  }
0x6a: {  	s4 =	sadd.s32 $0x1000, s5;
	s14 =	sadd.s32 $0x180, s9;
	s13 =	simm.s32 $0xC400  }
0x6b: {  	[tilespmem:s13], [sflag:$0x4] =	stream.indirect.gather [hbm4b:s3+s8], $0x40, s14, s8, $0xb8;
	[tilespmem:$0x16400] =	vst v63  }
0x6c: {  	p0 =	sne.s32 s5, $0x18000;
	s5 =	sadd.s32 $0x200, s9;
	s14 =	simm.s32 $0xE400  }
0x6d: {  	[tilespmem:s14], [sflag:$0x5] =	stream.indirect.gather [hbm4b:s3+s8], $0x40, s5, s8, $0xb8;
	[tilespmem:$0x16400] =	vst v63  }
0x6e: {  	s5 =	sadd.s32 $0x280, s9  }
0x6f: {  	[tilespmem:s15], [sflag:$0x6] =	stream.indirect.gather [hbm4b:s3+s8], $0x40, s5, s8, $0xb8;
	[tilespmem:$0x16400] =	vst v63  }
0x70: {  	s5 =	sadd.s32 $0x300, s9  }
0x71: {  	[tilespmem:s16], [sflag:$0x7] =	stream.indirect.gather [hbm4b:s3+s8], $0x40, s5, s8, $0xb8;
	[tilespmem:$0x16400] =	vst v63  }
0x72: {  	s5 =	sadd.s32 $0x380, s9;
	s9 =	simm.s32 $0x14400  }
0x73: {  	[tilespmem:s9], [sflag:$0x8] =	stream.indirect.gather [hbm4b:s3+s8], $0x40, s5, s8, $0xb8;
	[tilespmem:$0x16400] =	vst v63  }
0x74: {  	_ =	swait.ge [sflag:s17], $0x2000  }
0x75: {  	s5 =	rddreg [dreg:$0xa];
	[sflag:s17] =	ssyncset.done $0x0  }
0x76: {  	[sflag:s17] =	ssyncadd.s32 $0xFFFFE000;
	s5 =	sadd.s32 s6, s5  }
0x77: {  	[hbm4b:s5+s2] =	stream.linear.scatter [tilespmem:s10], [sflag:$0x9], $0x2000, $0x38;
	[tilespmem:$0x16400] =	vst v63  }
0x78: {  	_ =	swait.ge [sflag:s18], $0x2000  }
0x79: {  	s10 =	rddreg [dreg:$0x8];
	[sflag:s18] =	ssyncset.done $0x0  }
0x7a: {  	[sflag:s18] =	ssyncadd.s32 $0xFFFFE000;
	s5 =	sadd.s32 s6, s10  }
0x7b: {  	[hbm4b:s5+s2] =	stream.linear.scatter [tilespmem:s11], [sflag:$0xA], $0x2000, $0x38;
	[tilespmem:$0x16400] =	vst v63  }
0x7c: {  	_ =	swait.ge [sflag:s19], $0x2000  }
0x7d: {  	s11 =	rddreg [dreg:$0x7];
	[sflag:s19] =	ssyncset.done $0x0  }
0x7e: {  	[sflag:s19] =	ssyncadd.s32 $0xFFFFE000;
	s5 =	sadd.s32 s6, s11  }
0x7f: {  	[hbm4b:s5+s2] =	stream.linear.scatter [tilespmem:s12], [sflag:$0xB], $0x2000, $0x38;
	[tilespmem:$0x16400] =	vst v63  }
0x80: {  	_ =	swait.ge [sflag:s20], $0x2000  }
0x81: {  	s10 =	rddreg [dreg:$0x6];
	[sflag:s20] =	ssyncset.done $0x0  }
0x82: {  	[sflag:s20] =	ssyncadd.s32 $0xFFFFE000;
	s5 =	sadd.s32 s6, s10  }
0x83: {  	[hbm4b:s5+s2] =	stream.linear.scatter [tilespmem:s13], [sflag:$0xC], $0x2000, $0x38;
	[tilespmem:$0x16400] =	vst v63  }
0x84: {  	_ =	swait.ge [sflag:s21], $0x2000  }
0x85: {  	s11 =	rddreg [dreg:$0x5];
	[sflag:s21] =	ssyncset.done $0x0  }
0x86: {  	[sflag:s21] =	ssyncadd.s32 $0xFFFFE000;
	s5 =	sadd.s32 s6, s11  }
0x87: {  	[hbm4b:s5+s2] =	stream.linear.scatter [tilespmem:s14], [sflag:$0xD], $0x2000, $0x38;
	[tilespmem:$0x16400] =	vst v63  }
0x88: {  	_ =	swait.ge [sflag:s22], $0x2000  }
0x89: {  	s12 =	rddreg [dreg:$0x4];
	[sflag:s22] =	ssyncset.done $0x0  }
0x8a: {  	[sflag:s22] =	ssyncadd.s32 $0xFFFFE000;
	s5 =	sadd.s32 s6, s12  }
0x8b: {  	[hbm4b:s5+s2] =	stream.linear.scatter [tilespmem:s15], [sflag:$0xE], $0x2000, $0x38;
	[tilespmem:$0x16400] =	vst v63  }
0x8c: {  	_ =	swait.ge [sflag:s23], $0x2000  }
0x8d: {  	s13 =	rddreg [dreg:$0x3];
	[sflag:s23] =	ssyncset.done $0x0  }
0x8e: {  	[sflag:s23] =	ssyncadd.s32 $0xFFFFE000;
	s5 =	sadd.s32 s6, s13  }
0x8f: {  	[hbm4b:s5+s2] =	stream.linear.scatter [tilespmem:s16], [sflag:$0xF], $0x2000, $0x38;
	[tilespmem:$0x16400] =	vst v63  }
0x90: {  	_ =	swait.ge [sflag:s24], $0x2000  }
0x91: {  	s14 =	rddreg [dreg:$0x9];
	[sflag:s24] =	ssyncset.done $0x0  }
0x92: {  	[sflag:s24] =	ssyncadd.s32 $0xFFFFE000;
	s5 =	sadd.s32 s6, s14  }
0x93: {  	[hbm4b:s5+s2] =	stream.linear.scatter [tilespmem:s9], [sflag:$0x10], $0x2000, $0x38;
	[tilespmem:$0x16400] =	vst v63  }
0x94: {  	_ =	swait.ge [sflag:s25], $0x2000  }
0x95: {  	[sflag:s25] =	ssyncset.done $0x0  }
0x96: {  	[sflag:s25] =	ssyncadd.s32 $0xFFFFE000  }
0x97: {  	_ =	swait.ge [sflag:s26], $0x2000  }
0x98: {  	[sflag:s26] =	ssyncset.done $0x0  }
0x99: {  	[sflag:s26] =	ssyncadd.s32 $0xFFFFE000  }
0x9a: {  	_ =	swait.ge [sflag:s28], $0x2000  }
0x9b: {  	[sflag:s28] =	ssyncset.done $0x0  }
0x9c: {  	[sflag:s28] =	ssyncadd.s32 $0xFFFFE000  }
0x9d: {  	_ =	swait.ge [sflag:s29], $0x2000  }
0x9e: {  	[sflag:s29] =	ssyncset.done $0x0  }
0x9f: {  	[sflag:s29] =	ssyncadd.s32 $0xFFFFE000  }
0xa0: {  	_ =	swait.ge [sflag:s30], $0x2000  }
0xa1: {  	[sflag:s30] =	ssyncset.done $0x0  }
0xa2: {  	[sflag:s30] =	ssyncadd.s32 $0xFFFFE000  }
0xa3: {  	_ =	swait.ge [sflag:s31], $0x2000  }
0xa4: {  	[sflag:s31] =	ssyncset.done $0x0  }
0xa5: {  	[sflag:s31] =	ssyncadd.s32 $0xFFFFE000  }
.Ltmp0:
0xa6: {  	_ =	swait.ge [sflag:s1], $0x2000;
	(pc) =	sbr.rel @p0 .LBB2_2-.Ltmp0, $4  }
0xa7: {  	[sflag:s1] =	ssyncset.done $0x0  }
0xa8: {  	[sflag:s1] =	ssyncadd.s32 $0xFFFFE000  }
0xa9: {  	_ =	swait.ge [sflag:s0], $0x2000  }
0xaa: {  	s6 =	sadd.s32 $0x2000, s6;
	s5 =	smov.u32 s4;
	[sflag:s0] =	ssyncset.done $0x0  }
0xab: {  	s4 =	sshra.s32 s7, $0x2;
	[sflag:s0] =	ssyncadd.s32 $0xFFFFE000;
	s7 =	simm.s32 $0x6400  }
0xac: {  	[tilespmem:s7], [sflag:$0x1] =	stream.indirect.gather [hbm4b:s3+s8], $0x40, s4, s8, $0xb8;
	[tilespmem:$0x16400] =	vst v63  }
0xad: {  	s9 =	simm.s32 $0x8400;
	s5 =	sadd.s32 $0x80, s4  }
0xae: {  	[tilespmem:s9], [sflag:$0x2] =	stream.indirect.gather [hbm4b:s3+s8], $0x40, s5, s8, $0xb8;
	[tilespmem:$0x16400] =	vst v63  }
0xaf: {  	s10 =	simm.s32 $0xA400;
	s11 =	sadd.s32 $0x100, s4  }
0xb0: {  	[tilespmem:s10], [sflag:$0x3] =	stream.indirect.gather [hbm4b:s3+s8], $0x40, s11, s8, $0xb8;
	[tilespmem:$0x16400] =	vst v63  }
0xb1: {  	s12 =	sadd.s32 $0x180, s4;
	s11 =	simm.s32 $0xC400  }
0xb2: {  	[tilespmem:s11], [sflag:$0x4] =	stream.indirect.gather [hbm4b:s3+s8], $0x40, s12, s8, $0xb8;
	[tilespmem:$0x16400] =	vst v63  }
0xb3: {  	s13 =	sadd.s32 $0x200, s4;
	s12 =	simm.s32 $0xE400  }
0xb4: {  	[tilespmem:s12], [sflag:$0x5] =	stream.indirect.gather [hbm4b:s3+s8], $0x40, s13, s8, $0xb8;
	[tilespmem:$0x16400] =	vst v63  }
0xb5: {  	s14 =	sadd.s32 $0x280, s4;
	s13 =	simm.s32 $0x10400  }
0xb6: {  	[tilespmem:s13], [sflag:$0x6] =	stream.indirect.gather [hbm4b:s3+s8], $0x40, s14, s8, $0xb8;
	[tilespmem:$0x16400] =	vst v63  }
0xb7: {  	s5 =	sadd.s32 $0x300, s4;
	s14 =	simm.s32 $0x12400  }
0xb8: {  	[tilespmem:s14], [sflag:$0x7] =	stream.indirect.gather [hbm4b:s3+s8], $0x40, s5, s8, $0xb8;
	[tilespmem:$0x16400] =	vst v63  }
0xb9: {  	s4 =	sadd.s32 $0x380, s4;
	s5 =	simm.s32 $0x14400  }
0xba: {  	[tilespmem:s5], [sflag:$0x8] =	stream.indirect.gather [hbm4b:s3+s8], $0x40, s4, s8, $0xb8;
	[tilespmem:$0x16400] =	vst v63  }
0xbb: {  	_ =	swait.ge [sflag:s17], $0x2000  }
0xbc: {  	s4 =	rddreg [dreg:$0xa];
	[sflag:s17] =	ssyncset.done $0x0  }
0xbd: {  	[sflag:s17] =	ssyncadd.s32 $0xFFFFE000;
	s4 =	sadd.s32 s6, s4  }
0xbe: {  	[hbm4b:s4+s2] =	stream.linear.scatter [tilespmem:s7], [sflag:$0x9], $0x2000, $0x38;
	[tilespmem:$0x16400] =	vst v63  }
0xbf: {  	_ =	swait.ge [sflag:s18], $0x2000  }
0xc0: {  	s7 =	rddreg [dreg:$0x8];
	[sflag:s18] =	ssyncset.done $0x0  }
0xc1: {  	[sflag:s18] =	ssyncadd.s32 $0xFFFFE000;
	s4 =	sadd.s32 s6, s7  }
0xc2: {  	[hbm4b:s4+s2] =	stream.linear.scatter [tilespmem:s9], [sflag:$0xA], $0x2000, $0x38;
	[tilespmem:$0x16400] =	vst v63  }
0xc3: {  	_ =	swait.ge [sflag:s19], $0x2000  }
0xc4: {  	s9 =	rddreg [dreg:$0x7];
	[sflag:s19] =	ssyncset.done $0x0  }
0xc5: {  	[sflag:s19] =	ssyncadd.s32 $0xFFFFE000;
	s4 =	sadd.s32 s6, s9  }
0xc6: {  	[hbm4b:s4+s2] =	stream.linear.scatter [tilespmem:s10], [sflag:$0xB], $0x2000, $0x38;
	[tilespmem:$0x16400] =	vst v63  }
0xc7: {  	_ =	swait.ge [sflag:s20], $0x2000  }
0xc8: {  	s7 =	rddreg [dreg:$0x6];
	[sflag:s20] =	ssyncset.done $0x0  }
0xc9: {  	[sflag:s20] =	ssyncadd.s32 $0xFFFFE000;
	s4 =	sadd.s32 s6, s7  }
0xca: {  	[hbm4b:s4+s2] =	stream.linear.scatter [tilespmem:s11], [sflag:$0xC], $0x2000, $0x38;
	[tilespmem:$0x16400] =	vst v63  }
0xcb: {  	_ =	swait.ge [sflag:s21], $0x2000  }
0xcc: {  	s9 =	rddreg [dreg:$0x5];
	[sflag:s21] =	ssyncset.done $0x0  }
0xcd: {  	[sflag:s21] =	ssyncadd.s32 $0xFFFFE000;
	s4 =	sadd.s32 s6, s9  }
0xce: {  	[hbm4b:s4+s2] =	stream.linear.scatter [tilespmem:s12], [sflag:$0xD], $0x2000, $0x38;
	[tilespmem:$0x16400] =	vst v63  }
0xcf: {  	_ =	swait.ge [sflag:s22], $0x2000  }
0xd0: {  	s10 =	rddreg [dreg:$0x4];
	[sflag:s22] =	ssyncset.done $0x0  }
0xd1: {  	[sflag:s22] =	ssyncadd.s32 $0xFFFFE000;
	s4 =	sadd.s32 s6, s10  }
0xd2: {  	[hbm4b:s4+s2] =	stream.linear.scatter [tilespmem:s13], [sflag:$0xE], $0x2000, $0x38;
	[tilespmem:$0x16400] =	vst v63  }
0xd3: {  	_ =	swait.ge [sflag:s23], $0x2000  }
0xd4: {  	s11 =	rddreg [dreg:$0x3];
	[sflag:s23] =	ssyncset.done $0x0  }
0xd5: {  	[sflag:s23] =	ssyncadd.s32 $0xFFFFE000;
	s4 =	sadd.s32 s6, s11  }
0xd6: {  	[hbm4b:s4+s2] =	stream.linear.scatter [tilespmem:s14], [sflag:$0xF], $0x2000, $0x38;
	[tilespmem:$0x16400] =	vst v63  }
0xd7: {  	_ =	swait.ge [sflag:s24], $0x2000  }
0xd8: {  	s12 =	rddreg [dreg:$0x9];
	[sflag:s24] =	ssyncset.done $0x0  }
0xd9: {  	s4 =	sadd.s32 s6, s12;
	[sflag:s24] =	ssyncadd.s32 $0xFFFFE000  }
0xda: {  	[hbm4b:s4+s2] =	stream.linear.scatter [tilespmem:s5], [sflag:$0x10], $0x2000, $0x38;
	[tilespmem:$0x16400] =	vst v63  }
0xdb: {  	_ =	swait.ge [sflag:s25], $0x2000  }
0xdc: {  	[sflag:s25] =	ssyncset.done $0x0  }
0xdd: {  	[sflag:s25] =	ssyncadd.s32 $0xFFFFE000  }
0xde: {  	_ =	swait.ge [sflag:s26], $0x2000  }
0xdf: {  	[sflag:s26] =	ssyncset.done $0x0  }
0xe0: {  	[sflag:s26] =	ssyncadd.s32 $0xFFFFE000  }
0xe1: {  	_ =	swait.ge [sflag:s28], $0x2000  }
0xe2: {  	[sflag:s28] =	ssyncset.done $0x0  }
0xe3: {  	[sflag:s28] =	ssyncadd.s32 $0xFFFFE000  }
0xe4: {  	_ =	swait.ge [sflag:s29], $0x2000  }
0xe5: {  	[sflag:s29] =	ssyncset.done $0x0  }
0xe6: {  	[sflag:s29] =	ssyncadd.s32 $0xFFFFE000  }
0xe7: {  	_ =	swait.ge [sflag:s30], $0x2000  }
0xe8: {  	[sflag:s30] =	ssyncset.done $0x0  }
0xe9: {  	[sflag:s30] =	ssyncadd.s32 $0xFFFFE000  }
0xea: {  	_ =	swait.ge [sflag:s31], $0x2000  }
0xeb: {  	[sflag:s31] =	ssyncset.done $0x0  }
0xec: {  	[sflag:s31] =	ssyncadd.s32 $0xFFFFE000  }
0xed: {  	_ =	swait.ge [sflag:s1], $0x2000  }
0xee: {  	[sflag:s1] =	ssyncset.done $0x0  }
0xef: {  	[sflag:s1] =	ssyncadd.s32 $0xFFFFE000  }
0xf0: {  	_ =	swait.ge [sflag:s0], $0x2000  }
0xf1: {  	s13 =	rddreg [dreg:$0xe]  }
0xf2: {  	s14 =	rddreg [dreg:$0xd];
	s5 =	sadd.s32 $0x1, s13  }
0xf3: {  	p0 =	sne.s32 s5, s14  }
.Ltmp1:
0xf4: {  	_ = 	snop;
	(pc) =	sbr.rel @p0 .LBB2_1-.Ltmp1, $3  }
0xf5: {  	_ =	sdelay $0x1  }
0xf6: {  	[sflag:s0] =	ssyncset.done $0x0  }
0xf7: {  	[sflag:s0] =	ssyncadd.s32 $0xFFFFE000  }
0xf8: {  	_ =	sfence.sel $0x180000  }
0xf9: {  	[bflag:$0x0] =	sbarrier.arrive $0xFFFF  }
0xfa: {  	_ =	strace $0x90000047  }
0xfb: {  	s0 =	stileid.u32;
	[bflag:$0x2] =	sbarrier.arrive $0xFFFF  }
0xfc: {  	p0 =	sne.s32 s0, $0x0;
	s0 =	rddreg [dreg:$0x2]  }
0xfd: {  	s0 =	sadd.s32 @!p0 $0x100000, s0  }
0xfe: {  	[sflag:s0] =	ssyncadd.tile.s32 @!p0 $0x1;
	_ =	shalt  }
.Lfunc_end2:
_tile_overlayer_lowered:
.L_overlay_start_2:
0xff: {  	(tag) =	ssettag $0x2  }
0x100: {  	s0 =	rddreg [dreg:$0x0];
	s2 =	stileid.u32  }
0x101: {  	s1 =	rddreg [dreg:$0x1];
	p0 =	sne.s32 s2, $0x0  }
0x102: {  	s3 =	rddreg [dreg:$0x2];
	[bflag:$0x3] =	sbarrier.arrive $0xFFFF;
	s2 =	simm.s32 @!p0 $0x1C11  }
0x103: {  	[timem:s3], [sflag:s2] =	dma.local @!p0 [hbm:s0], s1  }
0x104: {  	s0 =	simm.s32 @!p0 $0x11  }
0x105: {  	_ =	swait.ge @!p0 [sflag:s0], s1  }
0x106: {  	s1 =	ssub.s32 @!p0 $0x0, s1;
	[sflag:s0] =	ssyncset.done @!p0 $0x0  }
0x107: {  	[sflag:s0] =	ssyncadd.s32 @!p0 s1  }
0x108: {  	[bflag:$0x3] =	sbarrier.arrive $0xFFFF  }
0x109: {  	_ =	shalt  }

// kernel: sparse-core-data-format-call.cloned.1.call-start
scs
called_computation_lowered:
.L_overlay_start_0:
0x0: {  	s2 =	sld [smem:$0x3FD9]  }
0x1: {  	s3 =	sld [smem:$0x3FFE];
	_ =	sdelay $0x1  }
0x2: {  	s1 =	srdreg.scid  }
0x3: {  	s0 =	sand.u32 $0x1, s1  }
0x4: {  	s18 =	sshll.u32 s0, $0xA;
	s2 =	sadd.s32 s3, s2  }
0x5: {  	s2 =	sadd.s32 s2, s18  }
0x6: {  	[smem:$0x3FC2] =	sst s2  }
0x7: {  	_ = 	snop  }
0x8: {  	s2 =	sld [smem:$0x3FD0];
	(tm) =	ssettm $0x1  }
0x9: {  	s19 =	sld [smem:$0x3FFB];
	_ =	sdelay $0x3  }
0xa: {  	_ =	strace s19  }
0xb: {  	s3 =	sld [smem:$0x3FFC];
	_ =	sdelay $0x3  }
0xc: {  	_ =	strace s3  }
0xd: {  	s3 =	sld [smem:$0x3FFD];
	_ =	sdelay $0x3  }
0xe: {  	_ =	strace s3  }
0xf: {  	_ =	strace $0x8FFFFFFF  }
0x10: {  	s20 =	sld [smem:$0x3FDB];
	_ =	sdelay $0x1  }
0x11: {  	s4 =	simm.s32 $_scs_section_size  }
0x12: {  	s5 =	simm.s32 $_size__tile_overlayer_lowered;
	s6 =	simm.s32 $_tile_overlayer_lowered  }
0x13: {  	s23 =	simm.s32 $0x1BFF;
	s22 =	sshll.u32 s6, $0x1;
	s3 =	sadd.s32 s4, s20  }
0x14: {  	s7 =	simm.s32 $0x0;
	s21 =	sshll.u32 s5, $0x1;
	s5 =	sadd.s32 s22, s3  }
0x15: {  	[timem:s7], [sflag:s23] =	dma.local [hbm:s5], s21  }
0x16: {  	_ =	swait.ge [sflag:s23], s21  }
0x17: {  	s4 =	ssub.s32 $0x0, s21;
	[sflag:s23] =	ssyncset.done $0x0  }
0x18: {  	[sflag:s23] =	ssyncadd.s32 s4;
	_ =	sdelay $0x1  }
0x19: {  	s24 =	simm.s32 $0x1B8B  }
0x1a: {  	_ =	swait.ge [sflag:s24], $0x1  }
0x1b: {  	[sflag:s24] =	ssyncset.done $0x0  }
0x1c: {  	s26 =	simm.s32 $0x1B8E;
	s25 =	sld [smem:$0x3FFE];
	[sflag:s24] =	ssyncadd.s32 $0xFFFFFFFF  }
0x1d: {  	s27 =	simm.s32 $execute0_lowered;
	[smem:$0x3FD2] =	sst s26  }
0x1e: {  	s5 =	sshll.u32 s27, $0x1;
	_ =	strace $0x80000049;
	[dreg:$0x1] =	wrdreg $0xFFFFFFFF  }
0x1f: {  	s28 =	simm.s32 $_size_execute0_lowered;
	s3 =	sadd.s32 s3, s5;
	[dreg:$0x0] =	wrdreg $0x0  }
0x20: {  	s5 =	sshll.u32 s28, $0x1;
	[dreg:$0x2] =	wrdreg s3  }
0x21: {  	[dreg:$0x3] =	wrdreg s5  }
0x22: {  	[dreg:$0x4] =	wrdreg $0xC0  }
0x23: {  	_ =	task [dreg:s7], $0x5FFFF  }
0x24: {  	[dreg:$0x1] =	wrdreg $0xFFFFFFFF  }
0x25: {  	[dreg:$0x0] =	wrdreg $0x60  }
0x26: {  	[dreg:$0x2] =	wrdreg s25  }
0x27: {  	[dreg:$0x3] =	wrdreg s2  }
0x28: {  	[dreg:$0x4] =	wrdreg $0x9  }
0x29: {  	_ =	task.clear_ibuf [dreg:s7], $0x5FFFF;
	_ =	strace $0x90000049  }
0x2a: {  	s29 =	simm.s32 $0x9;
	_ =	strace $0x8000004B  }
0x2b: {  	_ =	swait.ge [sflag:s29], $0x1  }
0x2c: {  	[sflag:s29] =	ssyncadd.s32 $0xFFFFFFFF  }
0x2d: {  	_ =	strace $0x9000004B  }
0x2e: {  	_ =	sfence  }
0x2f: {  	s30 =	sld [smem:$0x0];
	_ =	sdelay $0x2  }
0x30: {  	s31 =	sshll.u32 s1, $0xD;
	s1 =	sshrl.u32 s1, $0x2  }
0x31: {  	s3 =	sand.u32 $0x4000, s31;
	s1 =	sadd.s32 s1, s30  }
0x32: {  	s0 =	sor.u32 s3, s0;
	s1 =	sshll.u32 s1, $0x11  }
0x33: {  	s0 =	sor.u32 s1, s0  }
0x34: {  	s0 =	sadd.s32 $0x8F2B, s0  }
0x35: {  	[sflag:s0] =	ssyncadd.remote.s32 $0x1  }
0x36: {  	_ =	sfence.sel $0xFFFF  }
0x37: {  	[dreg:$0x0] =	wrdreg $0xFFFFFFFF;
	(pc) =	sbr.abs _section_cstart, $3  }
0x38: {  	[dreg:$0x1] =	wrdreg $0xFFFFFFFF  }
0x39: {  	_ =	task.clear_ibuf [dreg:s7], $0x2FFFF;
	_ =	strace $0x9FFFFFFF  }
0x3a: {  	(tm) =	ssettm $0x7FFFFFFF  }
0x3b: {  	_ =	shalt  }
tec
execute0_lowered:
.L_overlay_start_1:
0x0: {  	(tag) =	ssettag $0x1  }
0x1: {  	s0 =	srdreg.scid  }
0x2: {  	s1 =	sshll.u32 s0, $0x4  }
0x3: {  	s0 =	stileid.u32;
	s1 =	sand.u32 $0x10, s1  }
0x4: {  	s1 =	sor.u32 s0, s1  }
0x5: {  	s6 =	rddreg [dreg:$0x0];
	s4 =	simm.s32 $0x1;
	s2 =	sshll.u32 s1, $0x7  }
0x6: {  	s7 =	simm.s32 $0x2;
	s12 =	simm.s32 $0x0;
	s1 =	ssub.s32 $0x1000, s2  }
0x7: {  	s8 =	simm.s32 $0x8000;
	s13 =	simm.s32 $0x0;
	s3 =	sand.u32 $0xF80, s1  }
0x8: {  	s9 =	simm.s32 $0x0;
	s5 =	sshrl.u32 s1, $0xC;
	p0 =	sne.s32 s3, $0x0  }
.Ltmp0:
0x9: {  	s1 =	rddreg [dreg:$0x2];
	s4 =	simm.s32 @!p0 $0x0;
	(pc) =	sbr.rel .LBB1_1-.Ltmp0, $4  }
0xa: {  	s11 =	simm.s32 $0x0;
	s3 =	rddreg [dreg:$0x1];
	s5 =	sadd.s32 s4, s5  }
0xb: {  	_ =	strace $0x8000004A;
	s4 =	simm.s32 $0x1;
	s5 =	smul.u32 $0xC8, s5  }
0xc: {  	s6 =	sadd.s32 $0x1200, s6;
	s10 =	smov.u32 s2;
	[sflag:s4] =	ssyncpa.u1 $0x0  }
0xd: {  	p0 =	por $0x0, $0x0;
	[sflag:s7] =	ssyncpa.u1 $0x0;
	s7 =	sor.u32 $0x1, s5  }
.LBB1_4:
0xe: {  	s16 =	sshll.u32 s13, $0x3;
	s17 =	sand.u32 $0x78, s13  }
0xf: {  	s30 =	sand.u32 $0x7E00, s13;
	s12 =	sshll.u32 s12, $0xF;
	s16 =	sand.u32 $0xC00, s16  }
0x10: {  	[tilespmem:s15+$0x810 ss:$0x81] =	vst.msk $0xffff, v2;
	s31 =	sand.u32 $0x7, s13;
	s16 =	sor.u32 s17, s16;
	s17 =	sadd.s32 s3, s30  }
0x11: {  	[tilespmem:s15+$0x1020 ss:$0x81] =	vst.msk $0xffff, v0;
	s13 =	sshll.u32 s31, $0x12;
	s12 =	sadd.s32 s12, s17;
	s16 =	sshrl.u32 s16, $0x3  }
0x12: {  	[tilespmem:s15+$0x0 ss:$0x81] =	vst.msk $0xffff, v1;
	s13 =	sor.u32 $0x400, s13;
	s12 =	sadd.s32 s16, s12  }
0x13: {  	[hbm4b:s12+s13] =	stream.strided.scatter [tilespmem:s14], [sflag:$0x2], $0x2000, s8, s13, $0x20;
	[tilespmem:$0x8080] =	vst v63  }
.LBB1_5:
0x14: {  	s14 =	sadd.s32 $0x1, s9  }
0x15: {  	s12 =	sadd.s32 $0x1000, s10;
	s16 =	smov.u32 s10;
	p2 =	sgt.s32 s14, $0xC7  }
0x16: {  	s16 =	smov.u32 @p2 s12  }
0x17: {  	s14 =	simm.s32 @p2 $0x0;
	p2 =	sgt.s32 s16, $0xFFF  }
0x18: {  	s16 =	smov.u32 @p2 s2;
	p2 =	sne.s32 s11, s7  }
.Ltmp1:
0x19: {  	p1 =	slt.u32 s11, $0x2;
	(pc) =	sbr.rel @!p2 .LBB1_6-.Ltmp1, $4  }
0x1a: {  	s15 =	simm.s32 @!p1 $0x2  }
0x1b: {  	s13 =	smov.u32 s10;
	p0 =	por !p0, !p0;
	_ =	swait.ge @!p1 [sflag:s15], $0x2000  }
0x1c: {  	s12 =	smov.u32 s9;
	[sflag:s15] =	ssyncset.done @!p1 $0x0;
	s9 =	smov.u32 s14  }
0x1d: {  	s11 =	sadd.s32 $0x1, s11;
	[sflag:s15] =	ssyncadd.s32 @!p1 $0xFFFFE000;
	s10 =	smov.u32 s16  }
.LBB1_1:
0x1e: {  	p1 =	sge.u32 s11, s5  }
0x1f: {  	s14 =	sand.u32 @!p1 $0x1FFFFFF, s9  }
0x20: {  	s15 =	smulhi.u32 @!p1 $0x147AE15, s14;
	_ =	sdelay $0x1  }
0x21: {  	s15 =	smul.u32 @!p1 $0xC8, s15  }
0x22: {  	s16 =	sxor.u32 @!p1 $0xFFFFFFFF, s11;
	s17 =	smul.u32 @!p1 $0xC80, s10  }
0x23: {  	s31 =	sadd.s32 $0xFFFFFFFF, s11;
	s16 =	sshll.u32 @!p1 s16, $0xD;
	s14 =	ssub.s32 @!p1 s14, s15  }
0x24: {  	s15 =	sand.u32 @!p1 $0x2000, s16;
	s16 =	sadd.s32 @!p1 s6, s17;
	s14 =	sshll.u32 @!p1 s14, $0x4  }
0x25: {  	s17 =	simm.s32 @!p1 $0x6400;
	s14 =	sadd.s32 @!p1 s14, s16;
	s16 =	simm.s32 @!p1 $0x40  }
0x26: {  	[tilespmem:s15], [sflag:$0x1] =	stream.strided.gather @!p1 [hbm4b:s14+s16], $0x2000, s17, s16, $0x38;
	[tilespmem:$0x8080] =	vst v63  }
0x27: {  	p1 =	sge.u32 s31, s5  }
.Ltmp2:
0x28: {  	_ = 	snop;
	(pc) =	sbr.rel @p1 .LBB1_5-.Ltmp2, $1  }
0x29: {  	_ =	sdelay $0x3  }
0x2a: {  	s14 =	simm.s32 $0x1  }
0x2b: {  	_ =	swait.ge [sflag:s4], $0x2000;
	s14 =	simm.s32 @!p0 $0x0  }
0x2c: {  	[sflag:s4] =	ssyncset.done $0x0;
	s15 =	sshll.u32 s14, $0xD  }
0x2d: {  	[sflag:s4] =	ssyncadd.s32 $0xFFFFE000;
	s18 =	sor.u32 $0x20, s15  }
0x2e: {  	s14 =	smul.u32 $0x8100, s14;
	v3 =	vld [tilespmem:s18+$0x10]  }
0x2f: {  	s30 =	sand.u32 $0x1, s11;
	v2 =	vld [tilespmem:s18+$0xFFFFFFF0]  }
0x30: {  	s15 =	smul.u32 $0x8100, s30;
	s14 =	sshrl.u32 s14, $0x2;
	v0 =	vld [tilespmem:s18+$0x0]  }
0x31: {  	v1 =	vld [tilespmem:s18+$0xFFFFFFE0];
	s16 =	sor.u32 $0x4000, s14  }
0x32: {  	s31 =	sshrl.u32 s15, $0x2;
	s15 =	sadd.s32 $0x0, s16  }
0x33: {  	s17 =	simm.s32 $0x4;
	s18 =	sadd.s32 $0x40, s18;
	s14 =	sor.u32 $0x4000, s31;
	[tilespmem:s15+$0x1830 ss:$0x81] =	vst.msk $0xffff, v3  }
.LBB1_3:
0x34: {  	v3 =	vld [tilespmem:s18+$0x10];
	p1 =	sne.s32 s17, $0x1FC;
	[tilespmem:s15+$0x810 ss:$0x81] =	vst.msk $0xffff, v2;
	s19 =	smov.u32 s17;
	s17 =	sadd.s32 $0x4, s17  }
.Ltmp3:
0x35: {  	v2 =	vld [tilespmem:s18+$0xFFFFFFF0];
	[tilespmem:s15+$0x1020 ss:$0x81] =	vst.msk $0xffff, v0;
	(pc) =	sbr.rel @p1 .LBB1_3-.Ltmp3, $4  }
0x36: {  	v0 =	vld [tilespmem:s18+$0x0];
	[tilespmem:s15+$0x0 ss:$0x81] =	vst.msk $0xffff, v1  }
0x37: {  	s15 =	sshra.s32 s19, $0x2;
	v1 =	vld [tilespmem:s18+$0xFFFFFFE0]  }
0x38: {  	s15 =	sadd.s32 s15, s16  }
0x39: {  	s18 =	sadd.s32 $0x40, s18;
	[tilespmem:s15+$0x1830 ss:$0x81] =	vst.msk $0xffff, v3  }
.Ltmp4:
0x3a: {  	_ = 	snop;
	(pc) =	sbr.rel .LBB1_4-.Ltmp4, $1  }
0x3b: {  	_ =	sdelay $0x3  }
.LBB1_6:
0x3c: {  	_ =	sfence.sel $0x180000  }
0x3d: {  	s2 =	simm.s32 $0x1;
	[bflag:$0x0] =	sbarrier.arrive $0xFFFF  }
0x3e: {  	s31 =	simm.s32 $0x2;
	[sflag:s2] =	ssyncpa.u1 $0x1  }
0x3f: {  	[sflag:s31] =	ssyncpa.u1 $0x1  }
0x40: {  	p0 =	sne.s32 s0, $0x0;
	_ =	strace $0x9000004A  }
0x41: {  	s0 =	sadd.s32 @!p0 $0x100000, s1;
	[bflag:$0x2] =	sbarrier.arrive $0xFFFF  }
0x42: {  	[sflag:s0] =	ssyncadd.tile.s32 @!p0 $0x1;
	_ =	shalt  }
.Lfunc_end1:
_tile_overlayer_lowered:
.L_overlay_start_2:
0x43: {  	(tag) =	ssettag $0x2  }
0x44: {  	s0 =	rddreg [dreg:$0x0];
	s2 =	stileid.u32  }
0x45: {  	s1 =	rddreg [dreg:$0x1];
	p0 =	sne.s32 s2, $0x0  }
0x46: {  	s3 =	rddreg [dreg:$0x2];
	[bflag:$0x3] =	sbarrier.arrive $0xFFFF;
	s2 =	simm.s32 @!p0 $0x1C01  }
0x47: {  	[timem:s3], [sflag:s2] =	dma.local @!p0 [hbm:s0], s1  }
0x48: {  	s0 =	simm.s32 @!p0 $0x1  }
0x49: {  	_ =	swait.ge @!p0 [sflag:s0], s1  }
0x4a: {  	s1 =	ssub.s32 @!p0 $0x0, s1;
	[sflag:s0] =	ssyncset.done @!p0 $0x0  }
0x4b: {  	[sflag:s0] =	ssyncadd.s32 @!p0 s1  }
0x4c: {  	[bflag:$0x3] =	sbarrier.arrive $0xFFFF  }
0x4d: {  	_ =	shalt  }

</sc_bundles>
